<compile_context>
chip_gen: v7x
topology: tpu7x:2x2x1
jax: 0.10.2.dev20260603
libtpu: 0.0.44.dev20260713+nightly
codegen_flags: <defaults>
</compile_context>

<pallas_src>
import functools

import jax
import jax.numpy as jnp
from jax import lax
from jax.experimental import pallas as pl
from jax.experimental.pallas import tpu as pltpu
from jax.experimental.pallas import tpu_sc as plsc

_N = 10000
_E = 320000
_F = 128
_NG = 2
_NS = 16
_C = 128
_NBUF = 2
_SEG = 32
_EPT_RAW = _E // _NS
_NCHUNK = -(-_EPT_RAW // (_SEG * _C)) * _SEG
_NSEG = _NCHUNK // _SEG
_EPT = _NCHUNK * _C
_R = _N + 112
_ZR = _R // _NS


def _deg_body(dst_h, erows_h, zeros_h, out_h, idx_dst, ebuf, acc):
    c = lax.axis_index("c")
    s = lax.axis_index("s")
    pltpu.sync_copy(erows_h, ebuf)
    pltpu.sync_copy(zeros_h, acc.at[pl.ds(s * _ZR, _ZR)])
    plsc.subcore_barrier()
    row = (c * _NS + s) * _NCHUNK

    def seg_body(g, carry):
        pltpu.sync_copy(dst_h.at[pl.ds(row + g * _SEG, _SEG)], idx_dst)

        def step(j, carry2):
            pltpu.sync_copy(ebuf, acc.at[idx_dst.at[j]], add=True)
            return carry2

        lax.fori_loop(0, _SEG, step, 0)
        return carry

    lax.fori_loop(0, _NSEG, seg_body, 0)
    plsc.subcore_barrier()
    pltpu.sync_copy(acc.at[pl.ds(s * _ZR, _ZR)],
                    out_h.at[pl.ds(c * _R + s * _ZR, _ZR)])


def _agg_body(src_h, dst_h, u_h, zeros_h, out_h, idx_src, idx_dst, buf, acc,
              sem):
    c = lax.axis_index("c")
    s = lax.axis_index("s")
    pltpu.sync_copy(zeros_h, acc.at[pl.ds(s * _ZR, _ZR)])
    plsc.subcore_barrier()
    row = (c * _NS + s) * _NCHUNK

    def seg_body(g, carry):
        base = row + g * _SEG
        pltpu.sync_copy(src_h.at[pl.ds(base, _SEG)], idx_src)
        pltpu.sync_copy(dst_h.at[pl.ds(base, _SEG)], idx_dst)

        for b in range(_NBUF):
            pltpu.async_copy(u_h.at[idx_src.at[b]], buf.at[b], sem)

        def step(i, carry2):
            j = i * _NBUF
            for b in range(_NBUF):
                jj = j + b
                pltpu.make_async_copy(u_h.at[idx_src.at[jj]], buf.at[b],
                                      sem).wait()
                pltpu.sync_copy(buf.at[b], acc.at[idx_dst.at[jj]], add=True)
                pltpu.async_copy(u_h.at[idx_src.at[jj + _NBUF]], buf.at[b],
                                 sem)
            return carry2

        lax.fori_loop(0, _SEG // _NBUF - 1, step, 0)
        tail = _SEG - _NBUF
        for b in range(_NBUF):
            pltpu.make_async_copy(u_h.at[idx_src.at[tail + b]], buf.at[b],
                                  sem).wait()
            pltpu.sync_copy(buf.at[b], acc.at[idx_dst.at[tail + b]], add=True)
        return carry

    lax.fori_loop(0, _NSEG, seg_body, 0)
    plsc.subcore_barrier()
    pltpu.sync_copy(acc.at[pl.ds(s * _ZR, _ZR)],
                    out_h.at[pl.ds(c * _R + s * _ZR, _ZR)])


@functools.cache
def _sc_kernels():
    mesh = plsc.VectorSubcoreMesh(
        core_axis_name="c", subcore_axis_name="s",
        num_cores=_NG, num_subcores=_NS)
    deg = pl.kernel(
        _deg_body,
        jax.ShapeDtypeStruct((_NG * _R, _F), jnp.float32),
        mesh=mesh,
        scratch_types=[
            pltpu.VMEM((_SEG, _C), jnp.int32),
            pltpu.VMEM((_C, _F), jnp.float32),
            pltpu.VMEM_SHARED((_R, _F), jnp.float32),
        ],
    )
    agg = pl.kernel(
        _agg_body,
        jax.ShapeDtypeStruct((_NG * _R, _F), jnp.float32),
        mesh=mesh,
        scratch_types=[
            pltpu.VMEM((_SEG, _C), jnp.int32),
            pltpu.VMEM((_SEG, _C), jnp.int32),
            pltpu.VMEM((_NBUF, _C, _F), jnp.float32),
            pltpu.VMEM_SHARED((_R, _F), jnp.float32),
            pltpu.SemaphoreType.DMA,
        ],
    )
    return deg, agg



_B = 1000
_NB = _N // _B


def _l1(x):
    return x / jnp.maximum(jnp.sum(jnp.abs(x), axis=1, keepdims=True), 1e-12)


def _k1_body(rwr_ref, x_ref, deg_ref, linW_ref, linb_ref, W1_ref,
             pos_ref, u_ref):
    dinv = lax.rsqrt(deg_ref[0, :, 0:1] + 1.0)
    p = jnp.dot(rwr_ref[0], linW_ref[...],
                preferred_element_type=jnp.float32) + linb_ref[...]
    pos_ref[0] = _l1(p)
    u_ref[0] = dinv * jnp.dot(x_ref[0], W1_ref[...],
                              preferred_element_type=jnp.float32)


def _k2_body(agg_ref, u_ref, deg_ref, W2_ref, b_ref, conv_ref, unext_ref):
    dinv = lax.rsqrt(deg_ref[0, :, 0:1] + 1.0)
    conv = dinv * (agg_ref[0] + u_ref[0]) + b_ref[...]
    conv_ref[0] = conv
    unext_ref[0] = dinv * jnp.dot(conv, W2_ref[...],
                                  preferred_element_type=jnp.float32)


def _k3_body(conv2_ref, pos_ref, Wt_ref, Wb_ref, cb_ref, out_ref):
    gcn = _l1(conv2_ref[0])
    z = (jnp.dot(pos_ref[0], Wt_ref[...], preferred_element_type=jnp.float32)
         + jnp.dot(gcn, Wb_ref[...], preferred_element_type=jnp.float32)
         + cb_ref[...])
    out_ref[0] = _l1(z)


def _row_spec():
    return pl.BlockSpec((1, _B, _F), lambda g, i: (g, i, 0))


def _deg_spec():
    return pl.BlockSpec((1, _B, _F), lambda g, i: (g, i, 0))


def _w_spec():
    return pl.BlockSpec((_F, _F), lambda g, i: (0, 0))


def _b_spec():
    return pl.BlockSpec((1, _F), lambda g, i: (0, 0))


_k1 = pl.pallas_call(
    _k1_body,
    grid=(_NG, _NB),
    in_specs=[_row_spec(), _row_spec(), _deg_spec(), _w_spec(), _b_spec(),
              _w_spec()],
    out_specs=[_row_spec(), _row_spec()],
    out_shape=[jax.ShapeDtypeStruct((_NG, _N, _F), jnp.float32),
               jax.ShapeDtypeStruct((_NG, _N, _F), jnp.float32)],
)

_k2 = pl.pallas_call(
    _k2_body,
    grid=(_NG, _NB),
    in_specs=[_row_spec(), _row_spec(), _deg_spec(), _w_spec(), _b_spec()],
    out_specs=[_row_spec(), _row_spec()],
    out_shape=[jax.ShapeDtypeStruct((_NG, _N, _F), jnp.float32),
               jax.ShapeDtypeStruct((_NG, _N, _F), jnp.float32)],
)

_k3 = pl.pallas_call(
    _k3_body,
    grid=(_NG, _NB),
    in_specs=[_row_spec(), _row_spec(), _w_spec(), _w_spec(), _b_spec()],
    out_specs=_row_spec(),
    out_shape=jax.ShapeDtypeStruct((_NG, _N, _F), jnp.float32),
)


def _prep_edges(ei, g):
    pad = _EPT - _EPT_RAW
    src = ei[0].reshape(_NS, _EPT_RAW)
    dst = ei[1].reshape(_NS, _EPT_RAW)
    src = jnp.pad(src, ((0, 0), (0, pad))) + g * _N
    dst = jnp.pad(dst, ((0, 0), (0, pad)), constant_values=_N)
    return (src.reshape(_NS * _NCHUNK, _C), dst.reshape(_NS * _NCHUNK, _C))


def kernel(rwr1_emd, rwr2_emd, x1, edge_index1, x2, edge_index2,
           lin_W, lin_b, gcn_W1, gcn_b1, gcn_W2, gcn_b2, comb_W, comb_b):
    s1, d1 = _prep_edges(edge_index1, 0)
    s2, d2 = _prep_edges(edge_index2, 1)
    src_all = jnp.concatenate([s1, s2], axis=0)
    dst_all = jnp.concatenate([d1, d2], axis=0)

    zeros_f = jnp.zeros((_ZR, _F), jnp.float32)
    ones_e = jnp.ones((_C, _F), jnp.float32)

    _deg, _agg = _sc_kernels()
    deg = _deg(dst_all, ones_e, zeros_f)
    deg3 = deg.reshape(_NG, _R, _F)

    rwr = jnp.stack([rwr1_emd, rwr2_emd])
    x = jnp.stack([x1, x2])
    pos_n, u = _k1(rwr, x, deg3, lin_W, lin_b.reshape(1, _F), gcn_W1)

    def layer(k, carry):
        u_cur, _ = carry
        a = _agg(src_all, dst_all, u_cur.reshape(_NG * _N, _F), zeros_f)
        a = a.reshape(_NG, _R, _F)
        b_k = jnp.where(k == 0, gcn_b1, gcn_b2).reshape(1, _F)
        conv, unext = _k2(a, u_cur, deg3, gcn_W2, b_k)
        return (unext, conv)

    conv0 = jnp.zeros((_NG, _N, _F), jnp.float32)
    two = 2 + jnp.minimum(edge_index1[0, 0], 0) * 0
    _, conv2 = lax.fori_loop(0, two, layer, (u, conv0))

    emd = _k3(conv2, pos_n, comb_W[:_F], comb_W[_F:], comb_b.reshape(1, _F))
    return (emd[0], emd[1])

# --- scband reference (transcript-rebuilt; emitter-appended) ---
"""Pipeline reference for scband-bright-a-33878702031061 (READ-ONLY COPY).

The authoritative reference and input builder live on the scoring server;
editing this copy changes nothing except your own understanding.
"""

import jax, jax.numpy as jnp
import numpy as np

N = 10000
E = 320000
FEAT = 128
DIM = 128
RWR = 128


def setup_inputs(seed: int = 0) -> dict:
    key = jax.random.key(seed)
    ks = jax.random.split(key, 16)
    s = 0.05
    return {
        "rwr1_emd": jax.random.normal(ks[0], (N, RWR), jnp.float32),
        "rwr2_emd": jax.random.normal(ks[1], (N, RWR), jnp.float32),
        "x1": jax.random.normal(ks[2], (N, FEAT), jnp.float32),
        "edge_index1": jax.random.randint(ks[3], (2, E), 0, N, dtype=jnp.int32),
        "x2": jax.random.normal(ks[4], (N, FEAT), jnp.float32),
        "edge_index2": jax.random.randint(ks[5], (2, E), 0, N, dtype=jnp.int32),
        "lin_W": jax.random.normal(ks[6], (RWR, DIM), jnp.float32) * s,
        "lin_b": jnp.zeros((DIM,), jnp.float32),
        "gcn_W1": jax.random.normal(ks[7], (FEAT, DIM), jnp.float32) * s,
        "gcn_b1": jnp.zeros((DIM,), jnp.float32),
        "gcn_W2": jax.random.normal(ks[8], (DIM, DIM), jnp.float32) * s,
        "gcn_b2": jnp.zeros((DIM,), jnp.float32),
        "comb_W": jax.random.normal(ks[9], (2 * DIM, DIM), jnp.float32) * s,
        "comb_b": jnp.zeros((DIM,), jnp.float32),
    }


def _gcn_conv(x, edge_index, W, b):
    # PyG GCNConv: add self-loops, symmetric normalization D^-1/2 (A+I) D^-1/2
    n = x.shape[0]
    loop = jnp.arange(n, dtype=edge_index.dtype)
    src = jnp.concatenate([edge_index[0], loop])
    dst = jnp.concatenate([edge_index[1], loop])
    deg = jnp.zeros((n,), x.dtype).at[dst].add(1.0)
    dinv = jnp.where(deg > 0, 1.0 / jnp.sqrt(jnp.where(deg > 0, deg, 1.0)), 0.0)
    norm = dinv[src] * dinv[dst]
    h = x @ W
    msg = h[src] * norm[:, None]
    out = jnp.zeros((n, W.shape[1]), x.dtype).at[dst].add(msg)
    return out + b


def _gcn(x, edge_index, W1, b1, W2, b2):
    h = _gcn_conv(x, edge_index, W1, b1)
    h = _gcn_conv(h, edge_index, W2, b2)
    return h


def _l1_normalize(x):
    n = jnp.sum(jnp.abs(x), axis=1, keepdims=True)
    return x / jnp.maximum(n, 1e-12)


def reference(rwr1_emd, rwr2_emd, x1, edge_index1, x2, edge_index2,
              lin_W, lin_b, gcn_W1, gcn_b1, gcn_W2, gcn_b2, comb_W, comb_b):
    pos_emd1 = rwr1_emd @ lin_W + lin_b
    pos_emd2 = rwr2_emd @ lin_W + lin_b
    gcn_emd1 = _gcn(x1, edge_index1, gcn_W1, gcn_b1, gcn_W2, gcn_b2)
    gcn_emd2 = _gcn(x2, edge_index2, gcn_W1, gcn_b1, gcn_W2, gcn_b2)
    pos_emd1 = _l1_normalize(pos_emd1)
    pos_emd2 = _l1_normalize(pos_emd2)
    gcn_emd1 = _l1_normalize(gcn_emd1)
    gcn_emd2 = _l1_normalize(gcn_emd2)
    emd1 = jnp.concatenate([pos_emd1, gcn_emd1], axis=1)
    emd2 = jnp.concatenate([pos_emd2, gcn_emd2], axis=1)
    emd1 = _l1_normalize(emd1 @ comb_W + comb_b)
    emd2 = _l1_normalize(emd2 @ comb_W + comb_b)
    return (emd1, emd2)

if __name__ == "__main__":
    import jax
    _d = setup_inputs()
    print(jax.jit(kernel)(*tuple(_d.values())))

</pallas_src>

<mosaic_0001>
#map = affine_map<(d0, d1) -> (0, 0)>
module attributes {stable_mosaic.version = 14 : i64} {
  func.func @_deg_body(%arg0: i32, %arg1: i32, %arg2: memref<5120x128xi32, #tpu.memory_space<hbm>>, %arg3: memref<128x128xf32, #tpu.memory_space<hbm>>, %arg4: memref<632x128xf32, #tpu.memory_space<hbm>>, %arg5: memref<20224x128xf32, #tpu.memory_space<hbm>>, %arg6: memref<32x128xi32, #tpu.memory_space<vmem>>, %arg7: memref<128x128xf32, #tpu.memory_space<vmem>>, %arg8: memref<10112x128xf32, #tpu.memory_space<vmem_shared>>) attributes {dimension_semantics = [#tpu.dimension_semantics<core_parallel>, #tpu.dimension_semantics<subcore_parallel>], iteration_bounds = array<i64: 2, 16>, scalar_prefetch = 0 : i64, scratch_operands = 3 : i64, tpu.core_type = #tpu.core_type<sc_vector_subcore>, window_params = [{transform_indices = #map}, {transform_indices = #map}, {transform_indices = #map}, {transform_indices = #map}]} {
    "tpu.region"() ({
      %run_scoped3A = tpu.sem_alloc : memref<!tpu.dma_semaphore, #tpu.memory_space<semaphore_mem>>
      tpu.enqueue_dma source(%arg3 : memref<128x128xf32, #tpu.memory_space<hbm>>) target(%arg7 : memref<128x128xf32, #tpu.memory_space<vmem>>) target_semaphore(%run_scoped3A : memref<!tpu.dma_semaphore, #tpu.memory_space<semaphore_mem>>)
      tpu.wait_dma2 semaphore(%run_scoped3A : memref<!tpu.dma_semaphore, #tpu.memory_space<semaphore_mem>>) src(%arg3 : memref<128x128xf32, #tpu.memory_space<hbm>>) dst(%arg7 : memref<128x128xf32, #tpu.memory_space<vmem>>)
      tpu.yield
    }) : () -> ()
    %mul3A = arith.constant 632 : i32
    %mul3A_0 = arith.muli %arg1, %mul3A : i32
    "tpu.region"() ({
      %run_scoped3A = tpu.sem_alloc : memref<!tpu.dma_semaphore, #tpu.memory_space<semaphore_mem>>
      %dma_start3A = arith.constant 0 : i32
      %dma_start3A_18 = tpu.memref_slice %arg8[%mul3A_0, %dma_start3A] : memref<10112x128xf32, #tpu.memory_space<vmem_shared>> -> memref<632x128xf32, #tpu.memory_space<vmem_shared>>
      tpu.enqueue_dma source(%arg4 : memref<632x128xf32, #tpu.memory_space<hbm>>) target(%dma_start3A_18 : memref<632x128xf32, #tpu.memory_space<vmem_shared>>) target_semaphore(%run_scoped3A : memref<!tpu.dma_semaphore, #tpu.memory_space<semaphore_mem>>)
      %dma_wait3A = arith.constant 0 : i32
      %dma_wait3A_19 = tpu.memref_slice %arg8[%mul3A_0, %dma_wait3A] : memref<10112x128xf32, #tpu.memory_space<vmem_shared>> -> memref<632x128xf32, #tpu.memory_space<vmem_shared>>
      tpu.wait_dma2 semaphore(%run_scoped3A : memref<!tpu.dma_semaphore, #tpu.memory_space<semaphore_mem>>) src(%arg4 : memref<632x128xf32, #tpu.memory_space<hbm>>) dst(%dma_wait3A_19 : memref<632x128xf32, #tpu.memory_space<vmem_shared>>)
      tpu.yield
    }) : () -> ()
    %barrier3A = arith.constant 0 : index
    tpu.barrier barrier_id(%barrier3A)
    %mul3A_1 = arith.constant 16 : i32
    %mul3A_2 = arith.muli %arg0, %mul3A_1 : i32
    %add3A = arith.addi %mul3A_2, %arg1 : i32
    %mul3A_3 = arith.constant 160 : i32
    %mul3A_4 = arith.muli %add3A, %mul3A_3 : i32
    %scan3A = arith.constant 0 : i32
    %scan3A_5 = arith.constant 0 : i32
    %scan3A_6 = arith.constant 5 : i32
    %scan3A_7 = arith.addi %scan3A_5, %scan3A_6 : i32
    %scan3A_8 = arith.constant 1 : i32
    scf.for %scan3A_18 = %scan3A_5 to %scan3A_7 step %scan3A_8  : i32 {
      %mul3A_19 = arith.constant 32 : i32
      %mul3A_20 = arith.muli %scan3A_18, %mul3A_19 : i32
      %add3A_21 = arith.addi %mul3A_4, %mul3A_20 : i32
      "tpu.region"() ({
        %run_scoped3A = tpu.sem_alloc : memref<!tpu.dma_semaphore, #tpu.memory_space<semaphore_mem>>
        %dma_start3A = arith.constant 0 : i32
        %dma_start3A_28 = tpu.memref_slice %arg2[%add3A_21, %dma_start3A] : memref<5120x128xi32, #tpu.memory_space<hbm>> -> memref<32x128xi32, #tpu.memory_space<hbm>>
        %dma_start3A_29 = arith.constant 0 : i32
        %dma_start3A_30 = tpu.memref_slice %arg2[%add3A_21, %dma_start3A_29] : memref<5120x128xi32, #tpu.memory_space<hbm>> -> memref<32x128xi32, #tpu.memory_space<hbm>>
        tpu.enqueue_dma source(%dma_start3A_30 : memref<32x128xi32, #tpu.memory_space<hbm>>) target(%arg6 : memref<32x128xi32, #tpu.memory_space<vmem>>) target_semaphore(%run_scoped3A : memref<!tpu.dma_semaphore, #tpu.memory_space<semaphore_mem>>)
        %dma_wait3A = arith.constant 0 : i32
        %dma_wait3A_31 = tpu.memref_slice %arg2[%add3A_21, %dma_wait3A] : memref<5120x128xi32, #tpu.memory_space<hbm>> -> memref<32x128xi32, #tpu.memory_space<hbm>>
        %dma_wait3A_32 = arith.constant 0 : i32
        %dma_wait3A_33 = tpu.memref_slice %arg2[%add3A_21, %dma_wait3A_32] : memref<5120x128xi32, #tpu.memory_space<hbm>> -> memref<32x128xi32, #tpu.memory_space<hbm>>
        tpu.wait_dma2 semaphore(%run_scoped3A : memref<!tpu.dma_semaphore, #tpu.memory_space<semaphore_mem>>) src(%dma_wait3A_33 : memref<32x128xi32, #tpu.memory_space<hbm>>) dst(%arg6 : memref<32x128xi32, #tpu.memory_space<vmem>>)
        tpu.yield
      }) : () -> ()
      %scan3A_22 = arith.constant 0 : i32
      %scan3A_23 = arith.constant 0 : i32
      %scan3A_24 = arith.constant 32 : i32
      %scan3A_25 = arith.addi %scan3A_23, %scan3A_24 : i32
      %scan3A_26 = arith.constant 1 : i32
      scf.for %scan3A_28 = %scan3A_23 to %scan3A_25 step %scan3A_26  : i32 {
        "tpu.region"() ({
          %run_scoped3A = tpu.sem_alloc : memref<!tpu.dma_semaphore, #tpu.memory_space<semaphore_mem>>
          %dma_start3A = arith.constant 0 : i32
          %dma_start3A_29 = tpu.memref_slice %arg6[%scan3A_28, %dma_start3A] : memref<32x128xi32, #tpu.memory_space<vmem>> -> memref<1x128xi32, #tpu.memory_space<vmem>>
          %dma_start3A_30 = tpu.memref_squeeze %dma_start3A_29 : memref<1x128xi32, #tpu.memory_space<vmem>> -> memref<128xi32, #tpu.memory_space<vmem>>
          %dma_start3A_31 = arith.constant 0 : i32
          %dma_start3A_32 = arith.constant 0 : i32
          %dma_start3A_33 = tpu.memref_slice %arg8[%dma_start3A_31, %dma_start3A_32] : memref<10112x128xf32, #tpu.memory_space<vmem_shared>> -> memref<10112x128xf32, #tpu.memory_space<vmem_shared>>
          tpu.enqueue_indirect_dma source(%arg7 : memref<128x128xf32, #tpu.memory_space<vmem>>) target(%dma_start3A_33 : memref<10112x128xf32, #tpu.memory_space<vmem_shared>>) offsets(%dma_start3A_30 : memref<128xi32, #tpu.memory_space<vmem>>) semaphore(%run_scoped3A : memref<!tpu.dma_semaphore, #tpu.memory_space<semaphore_mem>>) {add = true}
          %dma_wait3A = arith.constant 0 : i32
          %dma_wait3A_34 = tpu.memref_slice %arg6[%scan3A_28, %dma_wait3A] : memref<32x128xi32, #tpu.memory_space<vmem>> -> memref<1x128xi32, #tpu.memory_space<vmem>>
          %dma_wait3A_35 = tpu.memref_squeeze %dma_wait3A_34 : memref<1x128xi32, #tpu.memory_space<vmem>> -> memref<128xi32, #tpu.memory_space<vmem>>
          %dma_wait3A_36 = arith.constant 0 : i32
          %dma_wait3A_37 = arith.constant 0 : i32
          %dma_wait3A_38 = tpu.memref_slice %arg8[%dma_wait3A_36, %dma_wait3A_37] : memref<10112x128xf32, #tpu.memory_space<vmem_shared>> -> memref<10112x128xf32, #tpu.memory_space<vmem_shared>>
          tpu.wait_indirect_dma semaphore(%run_scoped3A : memref<!tpu.dma_semaphore, #tpu.memory_space<semaphore_mem>>) src(%arg7 : memref<128x128xf32, #tpu.memory_space<vmem>>) dst(%dma_wait3A_38 : memref<10112x128xf32, #tpu.memory_space<vmem_shared>>)
          tpu.yield
        }) : () -> ()
      }
      %scan3A_27 = arith.constant 32 : i32
    }
    %scan3A_9 = arith.constant 5 : i32
    %barrier3A_10 = arith.constant 0 : index
    tpu.barrier barrier_id(%barrier3A_10)
    %mul3A_11 = arith.constant 632 : i32
    %mul3A_12 = arith.muli %arg1, %mul3A_11 : i32
    %mul3A_13 = arith.constant 10112 : i32
    %mul3A_14 = arith.muli %arg0, %mul3A_13 : i32
    %mul3A_15 = arith.constant 632 : i32
    %mul3A_16 = arith.muli %arg1, %mul3A_15 : i32
    %add3A_17 = arith.addi %mul3A_14, %mul3A_16 : i32
    "tpu.region"() ({
      %run_scoped3A = tpu.sem_alloc : memref<!tpu.dma_semaphore, #tpu.memory_space<semaphore_mem>>
      %dma_start3A = arith.constant 0 : i32
      %dma_start3A_18 = tpu.memref_slice %arg5[%add3A_17, %dma_start3A] : memref<20224x128xf32, #tpu.memory_space<hbm>> -> memref<632x128xf32, #tpu.memory_space<hbm>>
      %dma_start3A_19 = arith.constant 0 : i32
      %dma_start3A_20 = tpu.memref_slice %arg8[%mul3A_12, %dma_start3A_19] : memref<10112x128xf32, #tpu.memory_space<vmem_shared>> -> memref<632x128xf32, #tpu.memory_space<vmem_shared>>
      tpu.enqueue_dma source(%dma_start3A_20 : memref<632x128xf32, #tpu.memory_space<vmem_shared>>) target(%dma_start3A_18 : memref<632x128xf32, #tpu.memory_space<hbm>>) target_semaphore(%run_scoped3A : memref<!tpu.dma_semaphore, #tpu.memory_space<semaphore_mem>>)
      %dma_wait3A = arith.constant 0 : i32
      %dma_wait3A_21 = tpu.memref_slice %arg5[%add3A_17, %dma_wait3A] : memref<20224x128xf32, #tpu.memory_space<hbm>> -> memref<632x128xf32, #tpu.memory_space<hbm>>
      %dma_wait3A_22 = arith.constant 0 : i32
      %dma_wait3A_23 = tpu.memref_slice %arg8[%mul3A_12, %dma_wait3A_22] : memref<10112x128xf32, #tpu.memory_space<vmem_shared>> -> memref<632x128xf32, #tpu.memory_space<vmem_shared>>
      tpu.wait_dma2 semaphore(%run_scoped3A : memref<!tpu.dma_semaphore, #tpu.memory_space<semaphore_mem>>) src(%dma_wait3A_23 : memref<632x128xf32, #tpu.memory_space<vmem_shared>>) dst(%dma_wait3A_21 : memref<632x128xf32, #tpu.memory_space<hbm>>)
      tpu.yield
    }) : () -> ()
    return
  }
}

#map = affine_map<(d0, d1) -> (0, 0)>
module attributes {stable_mosaic.version = 14 : i64} {
  func.func @_agg_body(%arg0: i32, %arg1: i32, %arg2: memref<5120x128xi32, #tpu.memory_space<hbm>>, %arg3: memref<5120x128xi32, #tpu.memory_space<hbm>>, %arg4: memref<20000x128xf32, #tpu.memory_space<hbm>>, %arg5: memref<632x128xf32, #tpu.memory_space<hbm>>, %arg6: memref<20224x128xf32, #tpu.memory_space<hbm>>, %arg7: memref<32x128xi32, #tpu.memory_space<vmem>>, %arg8: memref<32x128xi32, #tpu.memory_space<vmem>>, %arg9: memref<2x128x128xf32, #tpu.memory_space<vmem>>, %arg10: memref<10112x128xf32, #tpu.memory_space<vmem_shared>>, %arg11: memref<!tpu.dma_semaphore, #tpu.memory_space<semaphore_mem>>) attributes {dimension_semantics = [#tpu.dimension_semantics<core_parallel>, #tpu.dimension_semantics<subcore_parallel>], iteration_bounds = array<i64: 2, 16>, scalar_prefetch = 0 : i64, scratch_operands = 5 : i64, tpu.core_type = #tpu.core_type<sc_vector_subcore>, window_params = [{transform_indices = #map}, {transform_indices = #map}, {transform_indices = #map}, {transform_indices = #map}, {transform_indices = #map}]} {
    %mul3A = arith.constant 632 : i32
    %mul3A_0 = arith.muli %arg1, %mul3A : i32
    "tpu.region"() ({
      %run_scoped3A = tpu.sem_alloc : memref<!tpu.dma_semaphore, #tpu.memory_space<semaphore_mem>>
      %dma_start3A = arith.constant 0 : i32
      %dma_start3A_18 = tpu.memref_slice %arg10[%mul3A_0, %dma_start3A] : memref<10112x128xf32, #tpu.memory_space<vmem_shared>> -> memref<632x128xf32, #tpu.memory_space<vmem_shared>>
      tpu.enqueue_dma source(%arg5 : memref<632x128xf32, #tpu.memory_space<hbm>>) target(%dma_start3A_18 : memref<632x128xf32, #tpu.memory_space<vmem_shared>>) target_semaphore(%run_scoped3A : memref<!tpu.dma_semaphore, #tpu.memory_space<semaphore_mem>>)
      %dma_wait3A = arith.constant 0 : i32
      %dma_wait3A_19 = tpu.memref_slice %arg10[%mul3A_0, %dma_wait3A] : memref<10112x128xf32, #tpu.memory_space<vmem_shared>> -> memref<632x128xf32, #tpu.memory_space<vmem_shared>>
      tpu.wait_dma2 semaphore(%run_scoped3A : memref<!tpu.dma_semaphore, #tpu.memory_space<semaphore_mem>>) src(%arg5 : memref<632x128xf32, #tpu.memory_space<hbm>>) dst(%dma_wait3A_19 : memref<632x128xf32, #tpu.memory_space<vmem_shared>>)
      tpu.yield
    }) : () -> ()
    %barrier3A = arith.constant 0 : index
    tpu.barrier barrier_id(%barrier3A)
    %mul3A_1 = arith.constant 16 : i32
    %mul3A_2 = arith.muli %arg0, %mul3A_1 : i32
    %add3A = arith.addi %mul3A_2, %arg1 : i32
    %mul3A_3 = arith.constant 160 : i32
    %mul3A_4 = arith.muli %add3A, %mul3A_3 : i32
    %scan3A = arith.constant 0 : i32
    %scan3A_5 = arith.constant 0 : i32
    %scan3A_6 = arith.constant 5 : i32
    %scan3A_7 = arith.addi %scan3A_5, %scan3A_6 : i32
    %scan3A_8 = arith.constant 1 : i32
    scf.for %scan3A_18 = %scan3A_5 to %scan3A_7 step %scan3A_8  : i32 {
      %mul3A_19 = arith.constant 32 : i32
      %mul3A_20 = arith.muli %scan3A_18, %mul3A_19 : i32
      %add3A_21 = arith.addi %mul3A_4, %mul3A_20 : i32
      "tpu.region"() ({
        %run_scoped3A_77 = tpu.sem_alloc : memref<!tpu.dma_semaphore, #tpu.memory_space<semaphore_mem>>
        %dma_start3A_78 = arith.constant 0 : i32
        %dma_start3A_79 = tpu.memref_slice %arg2[%add3A_21, %dma_start3A_78] : memref<5120x128xi32, #tpu.memory_space<hbm>> -> memref<32x128xi32, #tpu.memory_space<hbm>>
        %dma_start3A_80 = arith.constant 0 : i32
        %dma_start3A_81 = tpu.memref_slice %arg2[%add3A_21, %dma_start3A_80] : memref<5120x128xi32, #tpu.memory_space<hbm>> -> memref<32x128xi32, #tpu.memory_space<hbm>>
        tpu.enqueue_dma source(%dma_start3A_81 : memref<32x128xi32, #tpu.memory_space<hbm>>) target(%arg7 : memref<32x128xi32, #tpu.memory_space<vmem>>) target_semaphore(%run_scoped3A_77 : memref<!tpu.dma_semaphore, #tpu.memory_space<semaphore_mem>>)
        %dma_wait3A_82 = arith.constant 0 : i32
        %dma_wait3A_83 = tpu.memref_slice %arg2[%add3A_21, %dma_wait3A_82] : memref<5120x128xi32, #tpu.memory_space<hbm>> -> memref<32x128xi32, #tpu.memory_space<hbm>>
        %dma_wait3A_84 = arith.constant 0 : i32
        %dma_wait3A_85 = tpu.memref_slice %arg2[%add3A_21, %dma_wait3A_84] : memref<5120x128xi32, #tpu.memory_space<hbm>> -> memref<32x128xi32, #tpu.memory_space<hbm>>
        tpu.wait_dma2 semaphore(%run_scoped3A_77 : memref<!tpu.dma_semaphore, #tpu.memory_space<semaphore_mem>>) src(%dma_wait3A_85 : memref<32x128xi32, #tpu.memory_space<hbm>>) dst(%arg7 : memref<32x128xi32, #tpu.memory_space<vmem>>)
        tpu.yield
      }) : () -> ()
      "tpu.region"() ({
        %run_scoped3A_77 = tpu.sem_alloc : memref<!tpu.dma_semaphore, #tpu.memory_space<semaphore_mem>>
        %dma_start3A_78 = arith.constant 0 : i32
        %dma_start3A_79 = tpu.memref_slice %arg3[%add3A_21, %dma_start3A_78] : memref<5120x128xi32, #tpu.memory_space<hbm>> -> memref<32x128xi32, #tpu.memory_space<hbm>>
        %dma_start3A_80 = arith.constant 0 : i32
        %dma_start3A_81 = tpu.memref_slice %arg3[%add3A_21, %dma_start3A_80] : memref<5120x128xi32, #tpu.memory_space<hbm>> -> memref<32x128xi32, #tpu.memory_space<hbm>>
        tpu.enqueue_dma source(%dma_start3A_81 : memref<32x128xi32, #tpu.memory_space<hbm>>) target(%arg8 : memref<32x128xi32, #tpu.memory_space<vmem>>) target_semaphore(%run_scoped3A_77 : memref<!tpu.dma_semaphore, #tpu.memory_space<semaphore_mem>>)
        %dma_wait3A_82 = arith.constant 0 : i32
        %dma_wait3A_83 = tpu.memref_slice %arg3[%add3A_21, %dma_wait3A_82] : memref<5120x128xi32, #tpu.memory_space<hbm>> -> memref<32x128xi32, #tpu.memory_space<hbm>>
        %dma_wait3A_84 = arith.constant 0 : i32
        %dma_wait3A_85 = tpu.memref_slice %arg3[%add3A_21, %dma_wait3A_84] : memref<5120x128xi32, #tpu.memory_space<hbm>> -> memref<32x128xi32, #tpu.memory_space<hbm>>
        tpu.wait_dma2 semaphore(%run_scoped3A_77 : memref<!tpu.dma_semaphore, #tpu.memory_space<semaphore_mem>>) src(%dma_wait3A_85 : memref<32x128xi32, #tpu.memory_space<hbm>>) dst(%arg8 : memref<32x128xi32, #tpu.memory_space<vmem>>)
        tpu.yield
      }) : () -> ()
      %dma_start3A = arith.constant 0 : i32
      %dma_start3A_22 = arith.constant 0 : i32
      %dma_start3A_23 = arith.constant 0 : i32
      %dma_start3A_24 = arith.constant 0 : i32
      %dma_start3A_25 = tpu.memref_slice %arg9[%dma_start3A_22, %dma_start3A_23, %dma_start3A_24] : memref<2x128x128xf32, #tpu.memory_space<vmem>> -> memref<1x128x128xf32, #tpu.memory_space<vmem>>
      %dma_start3A_26 = tpu.memref_squeeze %dma_start3A_25 : memref<1x128x128xf32, #tpu.memory_space<vmem>> -> memref<128x128xf32, #tpu.memory_space<vmem>>
      %dma_start3A_27 = arith.constant 0 : i32
      %dma_start3A_28 = tpu.memref_slice %arg7[%dma_start3A, %dma_start3A_27] : memref<32x128xi32, #tpu.memory_space<vmem>> -> memref<1x128xi32, #tpu.memory_space<vmem>>
      %dma_start3A_29 = tpu.memref_squeeze %dma_start3A_28 : memref<1x128xi32, #tpu.memory_space<vmem>> -> memref<128xi32, #tpu.memory_space<vmem>>
      %dma_start3A_30 = arith.constant 0 : i32
      %dma_start3A_31 = arith.constant 0 : i32
      %dma_start3A_32 = tpu.memref_slice %arg4[%dma_start3A_30, %dma_start3A_31] : memref<20000x128xf32, #tpu.memory_space<hbm>> -> memref<20000x128xf32, #tpu.memory_space<hbm>>
      tpu.enqueue_indirect_dma source(%dma_start3A_32 : memref<20000x128xf32, #tpu.memory_space<hbm>>) target(%dma_start3A_26 : memref<128x128xf32, #tpu.memory_space<vmem>>) offsets(%dma_start3A_29 : memref<128xi32, #tpu.memory_space<vmem>>) semaphore(%arg11 : memref<!tpu.dma_semaphore, #tpu.memory_space<semaphore_mem>>)
      %dma_start3A_33 = arith.constant 1 : i32
      %dma_start3A_34 = arith.constant 1 : i32
      %dma_start3A_35 = arith.constant 0 : i32
      %dma_start3A_36 = arith.constant 0 : i32
      %dma_start3A_37 = tpu.memref_slice %arg9[%dma_start3A_34, %dma_start3A_35, %dma_start3A_36] : memref<2x128x128xf32, #tpu.memory_space<vmem>> -> memref<1x128x128xf32, #tpu.memory_space<vmem>>
      %dma_start3A_38 = tpu.memref_squeeze %dma_start3A_37 : memref<1x128x128xf32, #tpu.memory_space<vmem>> -> memref<128x128xf32, #tpu.memory_space<vmem>>
      %dma_start3A_39 = arith.constant 0 : i32
      %dma_start3A_40 = tpu.memref_slice %arg7[%dma_start3A_33, %dma_start3A_39] : memref<32x128xi32, #tpu.memory_space<vmem>> -> memref<1x128xi32, #tpu.memory_space<vmem>>
      %dma_start3A_41 = tpu.memref_squeeze %dma_start3A_40 : memref<1x128xi32, #tpu.memory_space<vmem>> -> memref<128xi32, #tpu.memory_space<vmem>>
      %dma_start3A_42 = arith.constant 0 : i32
      %dma_start3A_43 = arith.constant 0 : i32
      %dma_start3A_44 = tpu.memref_slice %arg4[%dma_start3A_42, %dma_start3A_43] : memref<20000x128xf32, #tpu.memory_space<hbm>> -> memref<20000x128xf32, #tpu.memory_space<hbm>>
      tpu.enqueue_indirect_dma source(%dma_start3A_44 : memref<20000x128xf32, #tpu.memory_space<hbm>>) target(%dma_start3A_38 : memref<128x128xf32, #tpu.memory_space<vmem>>) offsets(%dma_start3A_41 : memref<128xi32, #tpu.memory_space<vmem>>) semaphore(%arg11 : memref<!tpu.dma_semaphore, #tpu.memory_space<semaphore_mem>>)
      %scan3A_45 = arith.constant 0 : i32
      %scan3A_46 = arith.constant 0 : i32
      %scan3A_47 = arith.constant 15 : i32
      %scan3A_48 = arith.addi %scan3A_46, %scan3A_47 : i32
      %scan3A_49 = arith.constant 1 : i32
      scf.for %scan3A_77 = %scan3A_46 to %scan3A_48 step %scan3A_49  : i32 {
        %mul3A_78 = arith.constant 2 : i32
        %mul3A_79 = arith.muli %scan3A_77, %mul3A_78 : i32
        %add3A_80 = arith.constant 0 : i32
        %add3A_81 = arith.addi %mul3A_79, %add3A_80 : i32
        %dma_wait3A_82 = arith.constant 0 : i32
        %dma_wait3A_83 = arith.constant 0 : i32
        %dma_wait3A_84 = arith.constant 0 : i32
        %dma_wait3A_85 = tpu.memref_slice %arg9[%dma_wait3A_82, %dma_wait3A_83, %dma_wait3A_84] : memref<2x128x128xf32, #tpu.memory_space<vmem>> -> memref<1x128x128xf32, #tpu.memory_space<vmem>>
        %dma_wait3A_86 = tpu.memref_squeeze %dma_wait3A_85 : memref<1x128x128xf32, #tpu.memory_space<vmem>> -> memref<128x128xf32, #tpu.memory_space<vmem>>
        %dma_wait3A_87 = arith.constant 0 : i32
        %dma_wait3A_88 = tpu.memref_slice %arg7[%add3A_81, %dma_wait3A_87] : memref<32x128xi32, #tpu.memory_space<vmem>> -> memref<1x128xi32, #tpu.memory_space<vmem>>
        %dma_wait3A_89 = tpu.memref_squeeze %dma_wait3A_88 : memref<1x128xi32, #tpu.memory_space<vmem>> -> memref<128xi32, #tpu.memory_space<vmem>>
        %dma_wait3A_90 = arith.constant 0 : i32
        %dma_wait3A_91 = arith.constant 0 : i32
        %dma_wait3A_92 = tpu.memref_slice %arg4[%dma_wait3A_90, %dma_wait3A_91] : memref<20000x128xf32, #tpu.memory_space<hbm>> -> memref<20000x128xf32, #tpu.memory_space<hbm>>
        tpu.wait_indirect_dma semaphore(%arg11 : memref<!tpu.dma_semaphore, #tpu.memory_space<semaphore_mem>>) src(%dma_wait3A_92 : memref<20000x128xf32, #tpu.memory_space<hbm>>) dst(%dma_wait3A_86 : memref<128x128xf32, #tpu.memory_space<vmem>>)
        %run_scoped3A_93 = arith.constant 0 : i32
        "tpu.region"() ({
          %run_scoped3A_134 = tpu.sem_alloc : memref<!tpu.dma_semaphore, #tpu.memory_space<semaphore_mem>>
          %dma_start3A_135 = arith.constant 0 : i32
          %dma_start3A_136 = arith.constant 0 : i32
          %dma_start3A_137 = tpu.memref_slice %arg9[%run_scoped3A_93, %dma_start3A_135, %dma_start3A_136] : memref<2x128x128xf32, #tpu.memory_space<vmem>> -> memref<1x128x128xf32, #tpu.memory_space<vmem>>
          %dma_start3A_138 = tpu.memref_squeeze %dma_start3A_137 : memref<1x128x128xf32, #tpu.memory_space<vmem>> -> memref<128x128xf32, #tpu.memory_space<vmem>>
          %dma_start3A_139 = arith.constant 0 : i32
          %dma_start3A_140 = tpu.memref_slice %arg8[%add3A_81, %dma_start3A_139] : memref<32x128xi32, #tpu.memory_space<vmem>> -> memref<1x128xi32, #tpu.memory_space<vmem>>
          %dma_start3A_141 = tpu.memref_squeeze %dma_start3A_140 : memref<1x128xi32, #tpu.memory_space<vmem>> -> memref<128xi32, #tpu.memory_space<vmem>>
          %dma_start3A_142 = arith.constant 0 : i32
          %dma_start3A_143 = arith.constant 0 : i32
          %dma_start3A_144 = tpu.memref_slice %arg10[%dma_start3A_142, %dma_start3A_143] : memref<10112x128xf32, #tpu.memory_space<vmem_shared>> -> memref<10112x128xf32, #tpu.memory_space<vmem_shared>>
          tpu.enqueue_indirect_dma source(%dma_start3A_138 : memref<128x128xf32, #tpu.memory_space<vmem>>) target(%dma_start3A_144 : memref<10112x128xf32, #tpu.memory_space<vmem_shared>>) offsets(%dma_start3A_141 : memref<128xi32, #tpu.memory_space<vmem>>) semaphore(%run_scoped3A_134 : memref<!tpu.dma_semaphore, #tpu.memory_space<semaphore_mem>>) {add = true}
          %dma_wait3A_145 = arith.constant 0 : i32
          %dma_wait3A_146 = arith.constant 0 : i32
          %dma_wait3A_147 = tpu.memref_slice %arg9[%run_scoped3A_93, %dma_wait3A_145, %dma_wait3A_146] : memref<2x128x128xf32, #tpu.memory_space<vmem>> -> memref<1x128x128xf32, #tpu.memory_space<vmem>>
          %dma_wait3A_148 = tpu.memref_squeeze %dma_wait3A_147 : memref<1x128x128xf32, #tpu.memory_space<vmem>> -> memref<128x128xf32, #tpu.memory_space<vmem>>
          %dma_wait3A_149 = arith.constant 0 : i32
          %dma_wait3A_150 = tpu.memref_slice %arg8[%add3A_81, %dma_wait3A_149] : memref<32x128xi32, #tpu.memory_space<vmem>> -> memref<1x128xi32, #tpu.memory_space<vmem>>
          %dma_wait3A_151 = tpu.memref_squeeze %dma_wait3A_150 : memref<1x128xi32, #tpu.memory_space<vmem>> -> memref<128xi32, #tpu.memory_space<vmem>>
          %dma_wait3A_152 = arith.constant 0 : i32
          %dma_wait3A_153 = arith.constant 0 : i32
          %dma_wait3A_154 = tpu.memref_slice %arg10[%dma_wait3A_152, %dma_wait3A_153] : memref<10112x128xf32, #tpu.memory_space<vmem_shared>> -> memref<10112x128xf32, #tpu.memory_space<vmem_shared>>
          tpu.wait_indirect_dma semaphore(%run_scoped3A_134 : memref<!tpu.dma_semaphore, #tpu.memory_space<semaphore_mem>>) src(%dma_wait3A_148 : memref<128x128xf32, #tpu.memory_space<vmem>>) dst(%dma_wait3A_154 : memref<10112x128xf32, #tpu.memory_space<vmem_shared>>)
          tpu.yield
        }) : () -> ()
        %add3A_94 = arith.constant 2 : i32
        %add3A_95 = arith.addi %add3A_81, %add3A_94 : i32
        %dma_start3A_96 = arith.constant 0 : i32
        %dma_start3A_97 = arith.constant 0 : i32
        %dma_start3A_98 = arith.constant 0 : i32
        %dma_start3A_99 = tpu.memref_slice %arg9[%dma_start3A_96, %dma_start3A_97, %dma_start3A_98] : memref<2x128x128xf32, #tpu.memory_space<vmem>> -> memref<1x128x128xf32, #tpu.memory_space<vmem>>
        %dma_start3A_100 = tpu.memref_squeeze %dma_start3A_99 : memref<1x128x128xf32, #tpu.memory_space<vmem>> -> memref<128x128xf32, #tpu.memory_space<vmem>>
        %dma_start3A_101 = arith.constant 0 : i32
        %dma_start3A_102 = tpu.memref_slice %arg7[%add3A_95, %dma_start3A_101] : memref<32x128xi32, #tpu.memory_space<vmem>> -> memref<1x128xi32, #tpu.memory_space<vmem>>
        %dma_start3A_103 = tpu.memref_squeeze %dma_start3A_102 : memref<1x128xi32, #tpu.memory_space<vmem>> -> memref<128xi32, #tpu.memory_space<vmem>>
        %dma_start3A_104 = arith.constant 0 : i32
        %dma_start3A_105 = arith.constant 0 : i32
        %dma_start3A_106 = tpu.memref_slice %arg4[%dma_start3A_104, %dma_start3A_105] : memref<20000x128xf32, #tpu.memory_space<hbm>> -> memref<20000x128xf32, #tpu.memory_space<hbm>>
        tpu.enqueue_indirect_dma source(%dma_start3A_106 : memref<20000x128xf32, #tpu.memory_space<hbm>>) target(%dma_start3A_100 : memref<128x128xf32, #tpu.memory_space<vmem>>) offsets(%dma_start3A_103 : memref<128xi32, #tpu.memory_space<vmem>>) semaphore(%arg11 : memref<!tpu.dma_semaphore, #tpu.memory_space<semaphore_mem>>)
        %add3A_107 = arith.constant 1 : i32
        %add3A_108 = arith.addi %mul3A_79, %add3A_107 : i32
        %dma_wait3A_109 = arith.constant 1 : i32
        %dma_wait3A_110 = arith.constant 0 : i32
        %dma_wait3A_111 = arith.constant 0 : i32
        %dma_wait3A_112 = tpu.memref_slice %arg9[%dma_wait3A_109, %dma_wait3A_110, %dma_wait3A_111] : memref<2x128x128xf32, #tpu.memory_space<vmem>> -> memref<1x128x128xf32, #tpu.memory_space<vmem>>
        %dma_wait3A_113 = tpu.memref_squeeze %dma_wait3A_112 : memref<1x128x128xf32, #tpu.memory_space<vmem>> -> memref<128x128xf32, #tpu.memory_space<vmem>>
        %dma_wait3A_114 = arith.constant 0 : i32
        %dma_wait3A_115 = tpu.memref_slice %arg7[%add3A_108, %dma_wait3A_114] : memref<32x128xi32, #tpu.memory_space<vmem>> -> memref<1x128xi32, #tpu.memory_space<vmem>>
        %dma_wait3A_116 = tpu.memref_squeeze %dma_wait3A_115 : memref<1x128xi32, #tpu.memory_space<vmem>> -> memref<128xi32, #tpu.memory_space<vmem>>
        %dma_wait3A_117 = arith.constant 0 : i32
        %dma_wait3A_118 = arith.constant 0 : i32
        %dma_wait3A_119 = tpu.memref_slice %arg4[%dma_wait3A_117, %dma_wait3A_118] : memref<20000x128xf32, #tpu.memory_space<hbm>> -> memref<20000x128xf32, #tpu.memory_space<hbm>>
        tpu.wait_indirect_dma semaphore(%arg11 : memref<!tpu.dma_semaphore, #tpu.memory_space<semaphore_mem>>) src(%dma_wait3A_119 : memref<20000x128xf32, #tpu.memory_space<hbm>>) dst(%dma_wait3A_113 : memref<128x128xf32, #tpu.memory_space<vmem>>)
        %run_scoped3A_120 = arith.constant 1 : i32
        "tpu.region"() ({
          %run_scoped3A_134 = tpu.sem_alloc : memref<!tpu.dma_semaphore, #tpu.memory_space<semaphore_mem>>
          %dma_start3A_135 = arith.constant 0 : i32
          %dma_start3A_136 = arith.constant 0 : i32
          %dma_start3A_137 = tpu.memref_slice %arg9[%run_scoped3A_120, %dma_start3A_135, %dma_start3A_136] : memref<2x128x128xf32, #tpu.memory_space<vmem>> -> memref<1x128x128xf32, #tpu.memory_space<vmem>>
          %dma_start3A_138 = tpu.memref_squeeze %dma_start3A_137 : memref<1x128x128xf32, #tpu.memory_space<vmem>> -> memref<128x128xf32, #tpu.memory_space<vmem>>
          %dma_start3A_139 = arith.constant 0 : i32
          %dma_start3A_140 = tpu.memref_slice %arg8[%add3A_108, %dma_start3A_139] : memref<32x128xi32, #tpu.memory_space<vmem>> -> memref<1x128xi32, #tpu.memory_space<vmem>>
          %dma_start3A_141 = tpu.memref_squeeze %dma_start3A_140 : memref<1x128xi32, #tpu.memory_space<vmem>> -> memref<128xi32, #tpu.memory_space<vmem>>
          %dma_start3A_142 = arith.constant 0 : i32
          %dma_start3A_143 = arith.constant 0 : i32
          %dma_start3A_144 = tpu.memref_slice %arg10[%dma_start3A_142, %dma_start3A_143] : memref<10112x128xf32, #tpu.memory_space<vmem_shared>> -> memref<10112x128xf32, #tpu.memory_space<vmem_shared>>
          tpu.enqueue_indirect_dma source(%dma_start3A_138 : memref<128x128xf32, #tpu.memory_space<vmem>>) target(%dma_start3A_144 : memref<10112x128xf32, #tpu.memory_space<vmem_shared>>) offsets(%dma_start3A_141 : memref<128xi32, #tpu.memory_space<vmem>>) semaphore(%run_scoped3A_134 : memref<!tpu.dma_semaphore, #tpu.memory_space<semaphore_mem>>) {add = true}
          %dma_wait3A_145 = arith.constant 0 : i32
          %dma_wait3A_146 = arith.constant 0 : i32
          %dma_wait3A_147 = tpu.memref_slice %arg9[%run_scoped3A_120, %dma_wait3A_145, %dma_wait3A_146] : memref<2x128x128xf32, #tpu.memory_space<vmem>> -> memref<1x128x128xf32, #tpu.memory_space<vmem>>
          %dma_wait3A_148 = tpu.memref_squeeze %dma_wait3A_147 : memref<1x128x128xf32, #tpu.memory_space<vmem>> -> memref<128x128xf32, #tpu.memory_space<vmem>>
          %dma_wait3A_149 = arith.constant 0 : i32
          %dma_wait3A_150 = tpu.memref_slice %arg8[%add3A_108, %dma_wait3A_149] : memref<32x128xi32, #tpu.memory_space<vmem>> -> memref<1x128xi32, #tpu.memory_space<vmem>>
          %dma_wait3A_151 = tpu.memref_squeeze %dma_wait3A_150 : memref<1x128xi32, #tpu.memory_space<vmem>> -> memref<128xi32, #tpu.memory_space<vmem>>
          %dma_wait3A_152 = arith.constant 0 : i32
          %dma_wait3A_153 = arith.constant 0 : i32
          %dma_wait3A_154 = tpu.memref_slice %arg10[%dma_wait3A_152, %dma_wait3A_153] : memref<10112x128xf32, #tpu.memory_space<vmem_shared>> -> memref<10112x128xf32, #tpu.memory_space<vmem_shared>>
          tpu.wait_indirect_dma semaphore(%run_scoped3A_134 : memref<!tpu.dma_semaphore, #tpu.memory_space<semaphore_mem>>) src(%dma_wait3A_148 : memref<128x128xf32, #tpu.memory_space<vmem>>) dst(%dma_wait3A_154 : memref<10112x128xf32, #tpu.memory_space<vmem_shared>>)
          tpu.yield
        }) : () -> ()
        %add3A_121 = arith.constant 2 : i32
        %add3A_122 = arith.addi %add3A_108, %add3A_121 : i32
        %dma_start3A_123 = arith.constant 1 : i32
        %dma_start3A_124 = arith.constant 0 : i32
        %dma_start3A_125 = arith.constant 0 : i32
        %dma_start3A_126 = tpu.memref_slice %arg9[%dma_start3A_123, %dma_start3A_124, %dma_start3A_125] : memref<2x128x128xf32, #tpu.memory_space<vmem>> -> memref<1x128x128xf32, #tpu.memory_space<vmem>>
        %dma_start3A_127 = tpu.memref_squeeze %dma_start3A_126 : memref<1x128x128xf32, #tpu.memory_space<vmem>> -> memref<128x128xf32, #tpu.memory_space<vmem>>
        %dma_start3A_128 = arith.constant 0 : i32
        %dma_start3A_129 = tpu.memref_slice %arg7[%add3A_122, %dma_start3A_128] : memref<32x128xi32, #tpu.memory_space<vmem>> -> memref<1x128xi32, #tpu.memory_space<vmem>>
        %dma_start3A_130 = tpu.memref_squeeze %dma_start3A_129 : memref<1x128xi32, #tpu.memory_space<vmem>> -> memref<128xi32, #tpu.memory_space<vmem>>
        %dma_start3A_131 = arith.constant 0 : i32
        %dma_start3A_132 = arith.constant 0 : i32
        %dma_start3A_133 = tpu.memref_slice %arg4[%dma_start3A_131, %dma_start3A_132] : memref<20000x128xf32, #tpu.memory_space<hbm>> -> memref<20000x128xf32, #tpu.memory_space<hbm>>
        tpu.enqueue_indirect_dma source(%dma_start3A_133 : memref<20000x128xf32, #tpu.memory_space<hbm>>) target(%dma_start3A_127 : memref<128x128xf32, #tpu.memory_space<vmem>>) offsets(%dma_start3A_130 : memref<128xi32, #tpu.memory_space<vmem>>) semaphore(%arg11 : memref<!tpu.dma_semaphore, #tpu.memory_space<semaphore_mem>>)
      }
      %scan3A_50 = arith.constant 15 : i32
      %dma_wait3A = arith.constant 30 : i32
      %dma_wait3A_51 = arith.constant 0 : i32
      %dma_wait3A_52 = arith.constant 0 : i32
      %dma_wait3A_53 = arith.constant 0 : i32
      %dma_wait3A_54 = tpu.memref_slice %arg9[%dma_wait3A_51, %dma_wait3A_52, %dma_wait3A_53] : memref<2x128x128xf32, #tpu.memory_space<vmem>> -> memref<1x128x128xf32, #tpu.memory_space<vmem>>
      %dma_wait3A_55 = tpu.memref_squeeze %dma_wait3A_54 : memref<1x128x128xf32, #tpu.memory_space<vmem>> -> memref<128x128xf32, #tpu.memory_space<vmem>>
      %dma_wait3A_56 = arith.constant 0 : i32
      %dma_wait3A_57 = tpu.memref_slice %arg7[%dma_wait3A, %dma_wait3A_56] : memref<32x128xi32, #tpu.memory_space<vmem>> -> memref<1x128xi32, #tpu.memory_space<vmem>>
      %dma_wait3A_58 = tpu.memref_squeeze %dma_wait3A_57 : memref<1x128xi32, #tpu.memory_space<vmem>> -> memref<128xi32, #tpu.memory_space<vmem>>
      %dma_wait3A_59 = arith.constant 0 : i32
      %dma_wait3A_60 = arith.constant 0 : i32
      %dma_wait3A_61 = tpu.memref_slice %arg4[%dma_wait3A_59, %dma_wait3A_60] : memref<20000x128xf32, #tpu.memory_space<hbm>> -> memref<20000x128xf32, #tpu.memory_space<hbm>>
      tpu.wait_indirect_dma semaphore(%arg11 : memref<!tpu.dma_semaphore, #tpu.memory_space<semaphore_mem>>) src(%dma_wait3A_61 : memref<20000x128xf32, #tpu.memory_space<hbm>>) dst(%dma_wait3A_55 : memref<128x128xf32, #tpu.memory_space<vmem>>)
      %run_scoped3A = arith.constant 0 : i32
      %run_scoped3A_62 = arith.constant 30 : i32
      "tpu.region"() ({
        %run_scoped3A_77 = tpu.sem_alloc : memref<!tpu.dma_semaphore, #tpu.memory_space<semaphore_mem>>
        %dma_start3A_78 = arith.constant 0 : i32
        %dma_start3A_79 = arith.constant 0 : i32
        %dma_start3A_80 = tpu.memref_slice %arg9[%run_scoped3A, %dma_start3A_78, %dma_start3A_79] : memref<2x128x128xf32, #tpu.memory_space<vmem>> -> memref<1x128x128xf32, #tpu.memory_space<vmem>>
        %dma_start3A_81 = tpu.memref_squeeze %dma_start3A_80 : memref<1x128x128xf32, #tpu.memory_space<vmem>> -> memref<128x128xf32, #tpu.memory_space<vmem>>
        %dma_start3A_82 = arith.constant 0 : i32
        %dma_start3A_83 = tpu.memref_slice %arg8[%run_scoped3A_62, %dma_start3A_82] : memref<32x128xi32, #tpu.memory_space<vmem>> -> memref<1x128xi32, #tpu.memory_space<vmem>>
        %dma_start3A_84 = tpu.memref_squeeze %dma_start3A_83 : memref<1x128xi32, #tpu.memory_space<vmem>> -> memref<128xi32, #tpu.memory_space<vmem>>
        %dma_start3A_85 = arith.constant 0 : i32
        %dma_start3A_86 = arith.constant 0 : i32
        %dma_start3A_87 = tpu.memref_slice %arg10[%dma_start3A_85, %dma_start3A_86] : memref<10112x128xf32, #tpu.memory_space<vmem_shared>> -> memref<10112x128xf32, #tpu.memory_space<vmem_shared>>
        tpu.enqueue_indirect_dma source(%dma_start3A_81 : memref<128x128xf32, #tpu.memory_space<vmem>>) target(%dma_start3A_87 : memref<10112x128xf32, #tpu.memory_space<vmem_shared>>) offsets(%dma_start3A_84 : memref<128xi32, #tpu.memory_space<vmem>>) semaphore(%run_scoped3A_77 : memref<!tpu.dma_semaphore, #tpu.memory_space<semaphore_mem>>) {add = true}
        %dma_wait3A_88 = arith.constant 0 : i32
        %dma_wait3A_89 = arith.constant 0 : i32
        %dma_wait3A_90 = tpu.memref_slice %arg9[%run_scoped3A, %dma_wait3A_88, %dma_wait3A_89] : memref<2x128x128xf32, #tpu.memory_space<vmem>> -> memref<1x128x128xf32, #tpu.memory_space<vmem>>
        %dma_wait3A_91 = tpu.memref_squeeze %dma_wait3A_90 : memref<1x128x128xf32, #tpu.memory_space<vmem>> -> memref<128x128xf32, #tpu.memory_space<vmem>>
        %dma_wait3A_92 = arith.constant 0 : i32
        %dma_wait3A_93 = tpu.memref_slice %arg8[%run_scoped3A_62, %dma_wait3A_92] : memref<32x128xi32, #tpu.memory_space<vmem>> -> memref<1x128xi32, #tpu.memory_space<vmem>>
        %dma_wait3A_94 = tpu.memref_squeeze %dma_wait3A_93 : memref<1x128xi32, #tpu.memory_space<vmem>> -> memref<128xi32, #tpu.memory_space<vmem>>
        %dma_wait3A_95 = arith.constant 0 : i32
        %dma_wait3A_96 = arith.constant 0 : i32
        %dma_wait3A_97 = tpu.memref_slice %arg10[%dma_wait3A_95, %dma_wait3A_96] : memref<10112x128xf32, #tpu.memory_space<vmem_shared>> -> memref<10112x128xf32, #tpu.memory_space<vmem_shared>>
        tpu.wait_indirect_dma semaphore(%run_scoped3A_77 : memref<!tpu.dma_semaphore, #tpu.memory_space<semaphore_mem>>) src(%dma_wait3A_91 : memref<128x128xf32, #tpu.memory_space<vmem>>) dst(%dma_wait3A_97 : memref<10112x128xf32, #tpu.memory_space<vmem_shared>>)
        tpu.yield
      }) : () -> ()
      %dma_wait3A_63 = arith.constant 31 : i32
      %dma_wait3A_64 = arith.constant 1 : i32
      %dma_wait3A_65 = arith.constant 0 : i32
      %dma_wait3A_66 = arith.constant 0 : i32
      %dma_wait3A_67 = tpu.memref_slice %arg9[%dma_wait3A_64, %dma_wait3A_65, %dma_wait3A_66] : memref<2x128x128xf32, #tpu.memory_space<vmem>> -> memref<1x128x128xf32, #tpu.memory_space<vmem>>
      %dma_wait3A_68 = tpu.memref_squeeze %dma_wait3A_67 : memref<1x128x128xf32, #tpu.memory_space<vmem>> -> memref<128x128xf32, #tpu.memory_space<vmem>>
      %dma_wait3A_69 = arith.constant 0 : i32
      %dma_wait3A_70 = tpu.memref_slice %arg7[%dma_wait3A_63, %dma_wait3A_69] : memref<32x128xi32, #tpu.memory_space<vmem>> -> memref<1x128xi32, #tpu.memory_space<vmem>>
      %dma_wait3A_71 = tpu.memref_squeeze %dma_wait3A_70 : memref<1x128xi32, #tpu.memory_space<vmem>> -> memref<128xi32, #tpu.memory_space<vmem>>
      %dma_wait3A_72 = arith.constant 0 : i32
      %dma_wait3A_73 = arith.constant 0 : i32
      %dma_wait3A_74 = tpu.memref_slice %arg4[%dma_wait3A_72, %dma_wait3A_73] : memref<20000x128xf32, #tpu.memory_space<hbm>> -> memref<20000x128xf32, #tpu.memory_space<hbm>>
      tpu.wait_indirect_dma semaphore(%arg11 : memref<!tpu.dma_semaphore, #tpu.memory_space<semaphore_mem>>) src(%dma_wait3A_74 : memref<20000x128xf32, #tpu.memory_space<hbm>>) dst(%dma_wait3A_68 : memref<128x128xf32, #tpu.memory_space<vmem>>)
      %run_scoped3A_75 = arith.constant 1 : i32
      %run_scoped3A_76 = arith.constant 31 : i32
      "tpu.region"() ({
        %run_scoped3A_77 = tpu.sem_alloc : memref<!tpu.dma_semaphore, #tpu.memory_space<semaphore_mem>>
        %dma_start3A_78 = arith.constant 0 : i32
        %dma_start3A_79 = arith.constant 0 : i32
        %dma_start3A_80 = tpu.memref_slice %arg9[%run_scoped3A_75, %dma_start3A_78, %dma_start3A_79] : memref<2x128x128xf32, #tpu.memory_space<vmem>> -> memref<1x128x128xf32, #tpu.memory_space<vmem>>
        %dma_start3A_81 = tpu.memref_squeeze %dma_start3A_80 : memref<1x128x128xf32, #tpu.memory_space<vmem>> -> memref<128x128xf32, #tpu.memory_space<vmem>>
        %dma_start3A_82 = arith.constant 0 : i32
        %dma_start3A_83 = tpu.memref_slice %arg8[%run_scoped3A_76, %dma_start3A_82] : memref<32x128xi32, #tpu.memory_space<vmem>> -> memref<1x128xi32, #tpu.memory_space<vmem>>
        %dma_start3A_84 = tpu.memref_squeeze %dma_start3A_83 : memref<1x128xi32, #tpu.memory_space<vmem>> -> memref<128xi32, #tpu.memory_space<vmem>>
        %dma_start3A_85 = arith.constant 0 : i32
        %dma_start3A_86 = arith.constant 0 : i32
        %dma_start3A_87 = tpu.memref_slice %arg10[%dma_start3A_85, %dma_start3A_86] : memref<10112x128xf32, #tpu.memory_space<vmem_shared>> -> memref<10112x128xf32, #tpu.memory_space<vmem_shared>>
        tpu.enqueue_indirect_dma source(%dma_start3A_81 : memref<128x128xf32, #tpu.memory_space<vmem>>) target(%dma_start3A_87 : memref<10112x128xf32, #tpu.memory_space<vmem_shared>>) offsets(%dma_start3A_84 : memref<128xi32, #tpu.memory_space<vmem>>) semaphore(%run_scoped3A_77 : memref<!tpu.dma_semaphore, #tpu.memory_space<semaphore_mem>>) {add = true}
        %dma_wait3A_88 = arith.constant 0 : i32
        %dma_wait3A_89 = arith.constant 0 : i32
        %dma_wait3A_90 = tpu.memref_slice %arg9[%run_scoped3A_75, %dma_wait3A_88, %dma_wait3A_89] : memref<2x128x128xf32, #tpu.memory_space<vmem>> -> memref<1x128x128xf32, #tpu.memory_space<vmem>>
        %dma_wait3A_91 = tpu.memref_squeeze %dma_wait3A_90 : memref<1x128x128xf32, #tpu.memory_space<vmem>> -> memref<128x128xf32, #tpu.memory_space<vmem>>
        %dma_wait3A_92 = arith.constant 0 : i32
        %dma_wait3A_93 = tpu.memref_slice %arg8[%run_scoped3A_76, %dma_wait3A_92] : memref<32x128xi32, #tpu.memory_space<vmem>> -> memref<1x128xi32, #tpu.memory_space<vmem>>
        %dma_wait3A_94 = tpu.memref_squeeze %dma_wait3A_93 : memref<1x128xi32, #tpu.memory_space<vmem>> -> memref<128xi32, #tpu.memory_space<vmem>>
        %dma_wait3A_95 = arith.constant 0 : i32
        %dma_wait3A_96 = arith.constant 0 : i32
        %dma_wait3A_97 = tpu.memref_slice %arg10[%dma_wait3A_95, %dma_wait3A_96] : memref<10112x128xf32, #tpu.memory_space<vmem_shared>> -> memref<10112x128xf32, #tpu.memory_space<vmem_shared>>
        tpu.wait_indirect_dma semaphore(%run_scoped3A_77 : memref<!tpu.dma_semaphore, #tpu.memory_space<semaphore_mem>>) src(%dma_wait3A_91 : memref<128x128xf32, #tpu.memory_space<vmem>>) dst(%dma_wait3A_97 : memref<10112x128xf32, #tpu.memory_space<vmem_shared>>)
        tpu.yield
      }) : () -> ()
    }
    %scan3A_9 = arith.constant 5 : i32
    %barrier3A_10 = arith.constant 0 : index
    tpu.barrier barrier_id(%barrier3A_10)
    %mul3A_11 = arith.constant 632 : i32
    %mul3A_12 = arith.muli %arg1, %mul3A_11 : i32
    %mul3A_13 = arith.constant 10112 : i32
    %mul3A_14 = arith.muli %arg0, %mul3A_13 : i32
    %mul3A_15 = arith.constant 632 : i32
    %mul3A_16 = arith.muli %arg1, %mul3A_15 : i32
    %add3A_17 = arith.addi %mul3A_14, %mul3A_16 : i32
    "tpu.region"() ({
      %run_scoped3A = tpu.sem_alloc : memref<!tpu.dma_semaphore, #tpu.memory_space<semaphore_mem>>
      %dma_start3A = arith.constant 0 : i32
      %dma_start3A_18 = tpu.memref_slice %arg6[%add3A_17, %dma_start3A] : memref<20224x128xf32, #tpu.memory_space<hbm>> -> memref<632x128xf32, #tpu.memory_space<hbm>>
      %dma_start3A_19 = arith.constant 0 : i32
      %dma_start3A_20 = tpu.memref_slice %arg10[%mul3A_12, %dma_start3A_19] : memref<10112x128xf32, #tpu.memory_space<vmem_shared>> -> memref<632x128xf32, #tpu.memory_space<vmem_shared>>
      tpu.enqueue_dma source(%dma_start3A_20 : memref<632x128xf32, #tpu.memory_space<vmem_shared>>) target(%dma_start3A_18 : memref<632x128xf32, #tpu.memory_space<hbm>>) target_semaphore(%run_scoped3A : memref<!tpu.dma_semaphore, #tpu.memory_space<semaphore_mem>>)
      %dma_wait3A = arith.constant 0 : i32
      %dma_wait3A_21 = tpu.memref_slice %arg6[%add3A_17, %dma_wait3A] : memref<20224x128xf32, #tpu.memory_space<hbm>> -> memref<632x128xf32, #tpu.memory_space<hbm>>
      %dma_wait3A_22 = arith.constant 0 : i32
      %dma_wait3A_23 = tpu.memref_slice %arg10[%mul3A_12, %dma_wait3A_22] : memref<10112x128xf32, #tpu.memory_space<vmem_shared>> -> memref<632x128xf32, #tpu.memory_space<vmem_shared>>
      tpu.wait_dma2 semaphore(%run_scoped3A : memref<!tpu.dma_semaphore, #tpu.memory_space<semaphore_mem>>) src(%dma_wait3A_23 : memref<632x128xf32, #tpu.memory_space<vmem_shared>>) dst(%dma_wait3A_21 : memref<632x128xf32, #tpu.memory_space<hbm>>)
      tpu.yield
    }) : () -> ()
    return
  }
}

module attributes {stable_mosaic.version = 14 : i64} {
  func.func @_k1_body(%arg0: i32, %arg1: i32, %arg2: memref<1x1000x128xf32, #tpu.memory_space<vmem>>, %arg3: memref<1x1000x128xf32, #tpu.memory_space<vmem>>, %arg4: memref<1x1000x128xf32, #tpu.memory_space<vmem>>, %arg5: memref<128x128xf32, #tpu.memory_space<vmem>>, %arg6: memref<1x128xf32, #tpu.memory_space<vmem>>, %arg7: memref<128x128xf32, #tpu.memory_space<vmem>>, %arg8: memref<1x1000x128xf32, #tpu.memory_space<vmem>>, %arg9: memref<1x1000x128xf32, #tpu.memory_space<vmem>>) attributes {dimension_semantics = [#tpu.dimension_semantics<arbitrary>, #tpu.dimension_semantics<arbitrary>], iteration_bounds = array<i64: 2, 10>, scalar_prefetch = 0 : i64, scratch_operands = 0 : i64, tpu.core_type = #tpu.core_type<tc>, window_params = [{transform_indices = @transform_0, window_bounds = array<i64: 1, 1000, 128>}, {transform_indices = @transform_1, window_bounds = array<i64: 1, 1000, 128>}, {transform_indices = @transform_2, window_bounds = array<i64: 1, 1000, 128>}, {pipeline_mode = #tpu.pipeline_mode<synchronous>, transform_indices = @transform_3, window_bounds = array<i64: 128, 128>}, {pipeline_mode = #tpu.pipeline_mode<synchronous>, transform_indices = @transform_4, window_bounds = array<i64: 1, 128>}, {pipeline_mode = #tpu.pipeline_mode<synchronous>, transform_indices = @transform_5, window_bounds = array<i64: 128, 128>}, {transform_indices = @transform_6, window_bounds = array<i64: 1, 1000, 128>}, {transform_indices = @transform_7, window_bounds = array<i64: 1, 1000, 128>}]} {
    %get3A = arith.constant 0 : index
    %get3A_0 = arith.constant 0 : index
    %get3A_1 = arith.constant 0 : index
    %get3A_2 = vector.load %arg4[%get3A, %get3A_0, %get3A_1] : memref<1x1000x128xf32, #tpu.memory_space<vmem>>, vector<1x1000x1xf32>
    %get3A_3 = vector.shape_cast %get3A_2 : vector<1x1000x1xf32> to vector<1000x1xf32>
    %add3A = arith.constant 1.000000e+00 : f32
    %add3A_4 = vector.broadcast %add3A : f32 to vector<1000x1xf32>
    %add3A_5 = arith.addf %get3A_3, %add3A_4 : vector<1000x1xf32>
    %rsqrt3A = math.rsqrt %add3A_5 : vector<1000x1xf32>
    %get3A_6 = arith.constant 0 : index
    %get3A_7 = arith.constant 0 : index
    %get3A_8 = arith.constant 0 : index
    %get3A_9 = vector.load %arg2[%get3A_6, %get3A_7, %get3A_8] : memref<1x1000x128xf32, #tpu.memory_space<vmem>>, vector<1x1000x128xf32>
    %get3A_10 = vector.shape_cast %get3A_9 : vector<1x1000x128xf32> to vector<1000x128xf32>
    %get3A_11 = arith.constant 0 : index
    %get3A_12 = arith.constant 0 : index
    %get3A_13 = vector.load %arg5[%get3A_11, %get3A_12] : memref<128x128xf32, #tpu.memory_space<vmem>>, vector<128x128xf32>
    %dot_general3A = arith.constant dense<0.000000e+00> : vector<1000x128xf32>
    %dot_general3A_14 = tpu.matmul %get3A_10, %get3A_13, %dot_general3A {dimension_numbers = #tpu.dot_dimension_numbers<[1], [0], [0], [1], [0, 0, 1, 1], [], []>, transpose_lhs_hint = false} : vector<1000x128xf32>, vector<128x128xf32>, vector<1000x128xf32> -> vector<1000x128xf32>
    %get3A_15 = arith.constant 0 : index
    %get3A_16 = arith.constant 0 : index
    %get3A_17 = vector.load %arg6[%get3A_15, %get3A_16] : memref<1x128xf32, #tpu.memory_space<vmem>>, vector<1x128xf32>
    %add3A_18 = vector.broadcast %get3A_17 : vector<1x128xf32> to vector<1000x128xf32>
    %add3A_19 = arith.addf %dot_general3A_14, %add3A_18 : vector<1000x128xf32>
    %abs3A = math.absf %add3A_19 : vector<1000x128xf32>
    %reduce_sum3A = arith.constant dense<0.000000e+00> : vector<1000xf32>
    %reduce_sum3A_20 = vector.multi_reduction <add>, %abs3A, %reduce_sum3A [1] : vector<1000x128xf32> to vector<1000xf32>
    %broadcast_in_dim3A = vector.shape_cast %reduce_sum3A_20 : vector<1000xf32> to vector<1000x1xf32>
    %max3A = arith.constant 9.99999996E-13 : f32
    %max3A_21 = vector.broadcast %max3A : f32 to vector<1000x1xf32>
    %max3A_22 = arith.maximumf %broadcast_in_dim3A, %max3A_21 : vector<1000x1xf32>
    %div3A = vector.broadcast %max3A_22 : vector<1000x1xf32> to vector<1000x128xf32>
    %div3A_23 = arith.divf %add3A_19, %div3A : vector<1000x128xf32>
    %swap3A = arith.constant 0 : index
    %swap3A_24 = arith.constant 0 : index
    %swap3A_25 = arith.constant 0 : index
    %swap3A_26 = vector.load %arg8[%swap3A, %swap3A_24, %swap3A_25] : memref<1x1000x128xf32, #tpu.memory_space<vmem>>, vector<1x1000x128xf32>
    %swap3A_27 = vector.shape_cast %swap3A_26 : vector<1x1000x128xf32> to vector<1000x128xf32>
    %swap3A_28 = vector.shape_cast %div3A_23 : vector<1000x128xf32> to vector<1x1000x128xf32>
    tpu.vector_store %arg8[%swap3A, %swap3A_24, %swap3A_25], %swap3A_28 {strides = array<i32>} : memref<1x1000x128xf32, #tpu.memory_space<vmem>>, vector<1x1000x128xf32>,
    %get3A_29 = arith.constant 0 : index
    %get3A_30 = arith.constant 0 : index
    %get3A_31 = arith.constant 0 : index
    %get3A_32 = vector.load %arg3[%get3A_29, %get3A_30, %get3A_31] : memref<1x1000x128xf32, #tpu.memory_space<vmem>>, vector<1x1000x128xf32>
    %get3A_33 = vector.shape_cast %get3A_32 : vector<1x1000x128xf32> to vector<1000x128xf32>
    %get3A_34 = arith.constant 0 : index
    %get3A_35 = arith.constant 0 : index
    %get3A_36 = vector.load %arg7[%get3A_34, %get3A_35] : memref<128x128xf32, #tpu.memory_space<vmem>>, vector<128x128xf32>
    %dot_general3A_37 = arith.constant dense<0.000000e+00> : vector<1000x128xf32>
    %dot_general3A_38 = tpu.matmul %get3A_33, %get3A_36, %dot_general3A_37 {dimension_numbers = #tpu.dot_dimension_numbers<[1], [0], [0], [1], [0, 0, 1, 1], [], []>, transpose_lhs_hint = false} : vector<1000x128xf32>, vector<128x128xf32>, vector<1000x128xf32> -> vector<1000x128xf32>
    %mul3A = vector.broadcast %rsqrt3A : vector<1000x1xf32> to vector<1000x128xf32>
    %mul3A_39 = arith.mulf %mul3A, %dot_general3A_38 : vector<1000x128xf32>
    %swap3A_40 = arith.constant 0 : index
    %swap3A_41 = arith.constant 0 : index
    %swap3A_42 = arith.constant 0 : index
    %swap3A_43 = vector.load %arg9[%swap3A_40, %swap3A_41, %swap3A_42] : memref<1x1000x128xf32, #tpu.memory_space<vmem>>, vector<1x1000x128xf32>
    %swap3A_44 = vector.shape_cast %swap3A_43 : vector<1x1000x128xf32> to vector<1000x128xf32>
    %swap3A_45 = vector.shape_cast %mul3A_39 : vector<1000x128xf32> to vector<1x1000x128xf32>
    tpu.vector_store %arg9[%swap3A_40, %swap3A_41, %swap3A_42], %swap3A_45 {strides = array<i32>} : memref<1x1000x128xf32, #tpu.memory_space<vmem>>, vector<1x1000x128xf32>,
    return
  }
  func.func @transform_0(%arg0: i32, %arg1: i32) -> (i32, i32, i32) {
    %c0_i32 = arith.constant 0 : i32
    %c0_i32_0 = arith.constant 0 : i32
    return %arg0, %arg1, %c0_i32 : i32, i32, i32
  }
  func.func @transform_1(%arg0: i32, %arg1: i32) -> (i32, i32, i32) {
    %c0_i32 = arith.constant 0 : i32
    %c0_i32_0 = arith.constant 0 : i32
    return %arg0, %arg1, %c0_i32 : i32, i32, i32
  }
  func.func @transform_2(%arg0: i32, %arg1: i32) -> (i32, i32, i32) {
    %c0_i32 = arith.constant 0 : i32
    %c0_i32_0 = arith.constant 0 : i32
    return %arg0, %arg1, %c0_i32 : i32, i32, i32
  }
  func.func @transform_3(%arg0: i32, %arg1: i32) -> (i32, i32) {
    %c0_i32 = arith.constant 0 : i32
    %c0_i32_0 = arith.constant 0 : i32
    %c0_i32_1 = arith.constant 0 : i32
    return %c0_i32, %c0_i32_0 : i32, i32
  }
  func.func @transform_4(%arg0: i32, %arg1: i32) -> (i32, i32) {
    %c0_i32 = arith.constant 0 : i32
    %c0_i32_0 = arith.constant 0 : i32
    %c0_i32_1 = arith.constant 0 : i32
    return %c0_i32, %c0_i32_0 : i32, i32
  }
  func.func @transform_5(%arg0: i32, %arg1: i32) -> (i32, i32) {
    %c0_i32 = arith.constant 0 : i32
    %c0_i32_0 = arith.constant 0 : i32
    %c0_i32_1 = arith.constant 0 : i32
    return %c0_i32, %c0_i32_0 : i32, i32
  }
  func.func @transform_6(%arg0: i32, %arg1: i32) -> (i32, i32, i32) {
    %c0_i32 = arith.constant 0 : i32
    %c0_i32_0 = arith.constant 0 : i32
    return %arg0, %arg1, %c0_i32 : i32, i32, i32
  }
  func.func @transform_7(%arg0: i32, %arg1: i32) -> (i32, i32, i32) {
    %c0_i32 = arith.constant 0 : i32
    %c0_i32_0 = arith.constant 0 : i32
    return %arg0, %arg1, %c0_i32 : i32, i32, i32
  }
}

module attributes {stable_mosaic.version = 14 : i64} {
  func.func @_k2_body(%arg0: i32, %arg1: i32, %arg2: memref<1x1000x128xf32, #tpu.memory_space<vmem>>, %arg3: memref<1x1000x128xf32, #tpu.memory_space<vmem>>, %arg4: memref<1x1000x128xf32, #tpu.memory_space<vmem>>, %arg5: memref<128x128xf32, #tpu.memory_space<vmem>>, %arg6: memref<1x128xf32, #tpu.memory_space<vmem>>, %arg7: memref<1x1000x128xf32, #tpu.memory_space<vmem>>, %arg8: memref<1x1000x128xf32, #tpu.memory_space<vmem>>) attributes {dimension_semantics = [#tpu.dimension_semantics<arbitrary>, #tpu.dimension_semantics<arbitrary>], iteration_bounds = array<i64: 2, 10>, scalar_prefetch = 0 : i64, scratch_operands = 0 : i64, tpu.core_type = #tpu.core_type<tc>, window_params = [{transform_indices = @transform_0, window_bounds = array<i64: 1, 1000, 128>}, {transform_indices = @transform_1, window_bounds = array<i64: 1, 1000, 128>}, {transform_indices = @transform_2, window_bounds = array<i64: 1, 1000, 128>}, {pipeline_mode = #tpu.pipeline_mode<synchronous>, transform_indices = @transform_3, window_bounds = array<i64: 128, 128>}, {pipeline_mode = #tpu.pipeline_mode<synchronous>, transform_indices = @transform_4, window_bounds = array<i64: 1, 128>}, {transform_indices = @transform_5, window_bounds = array<i64: 1, 1000, 128>}, {transform_indices = @transform_6, window_bounds = array<i64: 1, 1000, 128>}]} {
    %get3A = arith.constant 0 : index
    %get3A_0 = arith.constant 0 : index
    %get3A_1 = arith.constant 0 : index
    %get3A_2 = vector.load %arg4[%get3A, %get3A_0, %get3A_1] : memref<1x1000x128xf32, #tpu.memory_space<vmem>>, vector<1x1000x1xf32>
    %get3A_3 = vector.shape_cast %get3A_2 : vector<1x1000x1xf32> to vector<1000x1xf32>
    %add3A = arith.constant 1.000000e+00 : f32
    %add3A_4 = vector.broadcast %add3A : f32 to vector<1000x1xf32>
    %add3A_5 = arith.addf %get3A_3, %add3A_4 : vector<1000x1xf32>
    %rsqrt3A = math.rsqrt %add3A_5 : vector<1000x1xf32>
    %get3A_6 = arith.constant 0 : index
    %get3A_7 = arith.constant 0 : index
    %get3A_8 = arith.constant 0 : index
    %get3A_9 = vector.load %arg2[%get3A_6, %get3A_7, %get3A_8] : memref<1x1000x128xf32, #tpu.memory_space<vmem>>, vector<1x1000x128xf32>
    %get3A_10 = vector.shape_cast %get3A_9 : vector<1x1000x128xf32> to vector<1000x128xf32>
    %get3A_11 = arith.constant 0 : index
    %get3A_12 = arith.constant 0 : index
    %get3A_13 = arith.constant 0 : index
    %get3A_14 = vector.load %arg3[%get3A_11, %get3A_12, %get3A_13] : memref<1x1000x128xf32, #tpu.memory_space<vmem>>, vector<1x1000x128xf32>
    %get3A_15 = vector.shape_cast %get3A_14 : vector<1x1000x128xf32> to vector<1000x128xf32>
    %add3A_16 = arith.addf %get3A_10, %get3A_15 : vector<1000x128xf32>
    %mul3A = vector.broadcast %rsqrt3A : vector<1000x1xf32> to vector<1000x128xf32>
    %mul3A_17 = arith.mulf %mul3A, %add3A_16 : vector<1000x128xf32>
    %get3A_18 = arith.constant 0 : index
    %get3A_19 = arith.constant 0 : index
    %get3A_20 = vector.load %arg6[%get3A_18, %get3A_19] : memref<1x128xf32, #tpu.memory_space<vmem>>, vector<1x128xf32>
    %add3A_21 = vector.broadcast %get3A_20 : vector<1x128xf32> to vector<1000x128xf32>
    %add3A_22 = arith.addf %mul3A_17, %add3A_21 : vector<1000x128xf32>
    %swap3A = arith.constant 0 : index
    %swap3A_23 = arith.constant 0 : index
    %swap3A_24 = arith.constant 0 : index
    %swap3A_25 = vector.load %arg7[%swap3A, %swap3A_23, %swap3A_24] : memref<1x1000x128xf32, #tpu.memory_space<vmem>>, vector<1x1000x128xf32>
    %swap3A_26 = vector.shape_cast %swap3A_25 : vector<1x1000x128xf32> to vector<1000x128xf32>
    %swap3A_27 = vector.shape_cast %add3A_22 : vector<1000x128xf32> to vector<1x1000x128xf32>
    tpu.vector_store %arg7[%swap3A, %swap3A_23, %swap3A_24], %swap3A_27 {strides = array<i32>} : memref<1x1000x128xf32, #tpu.memory_space<vmem>>, vector<1x1000x128xf32>,
    %get3A_28 = arith.constant 0 : index
    %get3A_29 = arith.constant 0 : index
    %get3A_30 = vector.load %arg5[%get3A_28, %get3A_29] : memref<128x128xf32, #tpu.memory_space<vmem>>, vector<128x128xf32>
    %dot_general3A = arith.constant dense<0.000000e+00> : vector<1000x128xf32>
    %dot_general3A_31 = tpu.matmul %add3A_22, %get3A_30, %dot_general3A {dimension_numbers = #tpu.dot_dimension_numbers<[1], [0], [0], [1], [0, 0, 1, 1], [], []>, transpose_lhs_hint = false} : vector<1000x128xf32>, vector<128x128xf32>, vector<1000x128xf32> -> vector<1000x128xf32>
    %mul3A_32 = vector.broadcast %rsqrt3A : vector<1000x1xf32> to vector<1000x128xf32>
    %mul3A_33 = arith.mulf %mul3A_32, %dot_general3A_31 : vector<1000x128xf32>
    %swap3A_34 = arith.constant 0 : index
    %swap3A_35 = arith.constant 0 : index
    %swap3A_36 = arith.constant 0 : index
    %swap3A_37 = vector.load %arg8[%swap3A_34, %swap3A_35, %swap3A_36] : memref<1x1000x128xf32, #tpu.memory_space<vmem>>, vector<1x1000x128xf32>
    %swap3A_38 = vector.shape_cast %swap3A_37 : vector<1x1000x128xf32> to vector<1000x128xf32>
    %swap3A_39 = vector.shape_cast %mul3A_33 : vector<1000x128xf32> to vector<1x1000x128xf32>
    tpu.vector_store %arg8[%swap3A_34, %swap3A_35, %swap3A_36], %swap3A_39 {strides = array<i32>} : memref<1x1000x128xf32, #tpu.memory_space<vmem>>, vector<1x1000x128xf32>,
    return
  }
  func.func @transform_0(%arg0: i32, %arg1: i32) -> (i32, i32, i32) {
    %c0_i32 = arith.constant 0 : i32
    %c0_i32_0 = arith.constant 0 : i32
    return %arg0, %arg1, %c0_i32 : i32, i32, i32
  }
  func.func @transform_1(%arg0: i32, %arg1: i32) -> (i32, i32, i32) {
    %c0_i32 = arith.constant 0 : i32
    %c0_i32_0 = arith.constant 0 : i32
    return %arg0, %arg1, %c0_i32 : i32, i32, i32
  }
  func.func @transform_2(%arg0: i32, %arg1: i32) -> (i32, i32, i32) {
    %c0_i32 = arith.constant 0 : i32
    %c0_i32_0 = arith.constant 0 : i32
    return %arg0, %arg1, %c0_i32 : i32, i32, i32
  }
  func.func @transform_3(%arg0: i32, %arg1: i32) -> (i32, i32) {
    %c0_i32 = arith.constant 0 : i32
    %c0_i32_0 = arith.constant 0 : i32
    %c0_i32_1 = arith.constant 0 : i32
    return %c0_i32, %c0_i32_0 : i32, i32
  }
  func.func @transform_4(%arg0: i32, %arg1: i32) -> (i32, i32) {
    %c0_i32 = arith.constant 0 : i32
    %c0_i32_0 = arith.constant 0 : i32
    %c0_i32_1 = arith.constant 0 : i32
    return %c0_i32, %c0_i32_0 : i32, i32
  }
  func.func @transform_5(%arg0: i32, %arg1: i32) -> (i32, i32, i32) {
    %c0_i32 = arith.constant 0 : i32
    %c0_i32_0 = arith.constant 0 : i32
    return %arg0, %arg1, %c0_i32 : i32, i32, i32
  }
  func.func @transform_6(%arg0: i32, %arg1: i32) -> (i32, i32, i32) {
    %c0_i32 = arith.constant 0 : i32
    %c0_i32_0 = arith.constant 0 : i32
    return %arg0, %arg1, %c0_i32 : i32, i32, i32
  }
}

module attributes {stable_mosaic.version = 14 : i64} {
  func.func @_k3_body(%arg0: i32, %arg1: i32, %arg2: memref<1x1000x128xf32, #tpu.memory_space<vmem>>, %arg3: memref<1x1000x128xf32, #tpu.memory_space<vmem>>, %arg4: memref<128x128xf32, #tpu.memory_space<vmem>>, %arg5: memref<128x128xf32, #tpu.memory_space<vmem>>, %arg6: memref<1x128xf32, #tpu.memory_space<vmem>>, %arg7: memref<1x1000x128xf32, #tpu.memory_space<vmem>>) attributes {dimension_semantics = [#tpu.dimension_semantics<arbitrary>, #tpu.dimension_semantics<arbitrary>], iteration_bounds = array<i64: 2, 10>, scalar_prefetch = 0 : i64, scratch_operands = 0 : i64, tpu.core_type = #tpu.core_type<tc>, window_params = [{transform_indices = @transform_0, window_bounds = array<i64: 1, 1000, 128>}, {transform_indices = @transform_1, window_bounds = array<i64: 1, 1000, 128>}, {pipeline_mode = #tpu.pipeline_mode<synchronous>, transform_indices = @transform_2, window_bounds = array<i64: 128, 128>}, {pipeline_mode = #tpu.pipeline_mode<synchronous>, transform_indices = @transform_3, window_bounds = array<i64: 128, 128>}, {pipeline_mode = #tpu.pipeline_mode<synchronous>, transform_indices = @transform_4, window_bounds = array<i64: 1, 128>}, {transform_indices = @transform_5, window_bounds = array<i64: 1, 1000, 128>}]} {
    %get3A = arith.constant 0 : index
    %get3A_0 = arith.constant 0 : index
    %get3A_1 = arith.constant 0 : index
    %get3A_2 = vector.load %arg2[%get3A, %get3A_0, %get3A_1] : memref<1x1000x128xf32, #tpu.memory_space<vmem>>, vector<1x1000x128xf32>
    %get3A_3 = vector.shape_cast %get3A_2 : vector<1x1000x128xf32> to vector<1000x128xf32>
    %abs3A = math.absf %get3A_3 : vector<1000x128xf32>
    %reduce_sum3A = arith.constant dense<0.000000e+00> : vector<1000xf32>
    %reduce_sum3A_4 = vector.multi_reduction <add>, %abs3A, %reduce_sum3A [1] : vector<1000x128xf32> to vector<1000xf32>
    %broadcast_in_dim3A = vector.shape_cast %reduce_sum3A_4 : vector<1000xf32> to vector<1000x1xf32>
    %max3A = arith.constant 9.99999996E-13 : f32
    %max3A_5 = vector.broadcast %max3A : f32 to vector<1000x1xf32>
    %max3A_6 = arith.maximumf %broadcast_in_dim3A, %max3A_5 : vector<1000x1xf32>
    %div3A = vector.broadcast %max3A_6 : vector<1000x1xf32> to vector<1000x128xf32>
    %div3A_7 = arith.divf %get3A_3, %div3A : vector<1000x128xf32>
    %get3A_8 = arith.constant 0 : index
    %get3A_9 = arith.constant 0 : index
    %get3A_10 = arith.constant 0 : index
    %get3A_11 = vector.load %arg3[%get3A_8, %get3A_9, %get3A_10] : memref<1x1000x128xf32, #tpu.memory_space<vmem>>, vector<1x1000x128xf32>
    %get3A_12 = vector.shape_cast %get3A_11 : vector<1x1000x128xf32> to vector<1000x128xf32>
    %get3A_13 = arith.constant 0 : index
    %get3A_14 = arith.constant 0 : index
    %get3A_15 = vector.load %arg4[%get3A_13, %get3A_14] : memref<128x128xf32, #tpu.memory_space<vmem>>, vector<128x128xf32>
    %dot_general3A = arith.constant dense<0.000000e+00> : vector<1000x128xf32>
    %dot_general3A_16 = tpu.matmul %get3A_12, %get3A_15, %dot_general3A {dimension_numbers = #tpu.dot_dimension_numbers<[1], [0], [0], [1], [0, 0, 1, 1], [], []>, transpose_lhs_hint = false} : vector<1000x128xf32>, vector<128x128xf32>, vector<1000x128xf32> -> vector<1000x128xf32>
    %get3A_17 = arith.constant 0 : index
    %get3A_18 = arith.constant 0 : index
    %get3A_19 = vector.load %arg5[%get3A_17, %get3A_18] : memref<128x128xf32, #tpu.memory_space<vmem>>, vector<128x128xf32>
    %dot_general3A_20 = arith.constant dense<0.000000e+00> : vector<1000x128xf32>
    %dot_general3A_21 = tpu.matmul %div3A_7, %get3A_19, %dot_general3A_20 {dimension_numbers = #tpu.dot_dimension_numbers<[1], [0], [0], [1], [0, 0, 1, 1], [], []>, transpose_lhs_hint = false} : vector<1000x128xf32>, vector<128x128xf32>, vector<1000x128xf32> -> vector<1000x128xf32>
    %add3A = arith.addf %dot_general3A_16, %dot_general3A_21 : vector<1000x128xf32>
    %get3A_22 = arith.constant 0 : index
    %get3A_23 = arith.constant 0 : index
    %get3A_24 = vector.load %arg6[%get3A_22, %get3A_23] : memref<1x128xf32, #tpu.memory_space<vmem>>, vector<1x128xf32>
    %add3A_25 = vector.broadcast %get3A_24 : vector<1x128xf32> to vector<1000x128xf32>
    %add3A_26 = arith.addf %add3A, %add3A_25 : vector<1000x128xf32>
    %abs3A_27 = math.absf %add3A_26 : vector<1000x128xf32>
    %reduce_sum3A_28 = arith.constant dense<0.000000e+00> : vector<1000xf32>
    %reduce_sum3A_29 = vector.multi_reduction <add>, %abs3A_27, %reduce_sum3A_28 [1] : vector<1000x128xf32> to vector<1000xf32>
    %broadcast_in_dim3A_30 = vector.shape_cast %reduce_sum3A_29 : vector<1000xf32> to vector<1000x1xf32>
    %max3A_31 = arith.constant 9.99999996E-13 : f32
    %max3A_32 = vector.broadcast %max3A_31 : f32 to vector<1000x1xf32>
    %max3A_33 = arith.maximumf %broadcast_in_dim3A_30, %max3A_32 : vector<1000x1xf32>
    %div3A_34 = vector.broadcast %max3A_33 : vector<1000x1xf32> to vector<1000x128xf32>
    %div3A_35 = arith.divf %add3A_26, %div3A_34 : vector<1000x128xf32>
    %swap3A = arith.constant 0 : index
    %swap3A_36 = arith.constant 0 : index
    %swap3A_37 = arith.constant 0 : index
    %swap3A_38 = vector.load %arg7[%swap3A, %swap3A_36, %swap3A_37] : memref<1x1000x128xf32, #tpu.memory_space<vmem>>, vector<1x1000x128xf32>
    %swap3A_39 = vector.shape_cast %swap3A_38 : vector<1x1000x128xf32> to vector<1000x128xf32>
    %swap3A_40 = vector.shape_cast %div3A_35 : vector<1000x128xf32> to vector<1x1000x128xf32>
    tpu.vector_store %arg7[%swap3A, %swap3A_36, %swap3A_37], %swap3A_40 {strides = array<i32>} : memref<1x1000x128xf32, #tpu.memory_space<vmem>>, vector<1x1000x128xf32>,
    return
  }
  func.func @transform_0(%arg0: i32, %arg1: i32) -> (i32, i32, i32) {
    %c0_i32 = arith.constant 0 : i32
    %c0_i32_0 = arith.constant 0 : i32
    return %arg0, %arg1, %c0_i32 : i32, i32, i32
  }
  func.func @transform_1(%arg0: i32, %arg1: i32) -> (i32, i32, i32) {
    %c0_i32 = arith.constant 0 : i32
    %c0_i32_0 = arith.constant 0 : i32
    return %arg0, %arg1, %c0_i32 : i32, i32, i32
  }
  func.func @transform_2(%arg0: i32, %arg1: i32) -> (i32, i32) {
    %c0_i32 = arith.constant 0 : i32
    %c0_i32_0 = arith.constant 0 : i32
    %c0_i32_1 = arith.constant 0 : i32
    return %c0_i32, %c0_i32_0 : i32, i32
  }
  func.func @transform_3(%arg0: i32, %arg1: i32) -> (i32, i32) {
    %c0_i32 = arith.constant 0 : i32
    %c0_i32_0 = arith.constant 0 : i32
    %c0_i32_1 = arith.constant 0 : i32
    return %c0_i32, %c0_i32_0 : i32, i32
  }
  func.func @transform_4(%arg0: i32, %arg1: i32) -> (i32, i32) {
    %c0_i32 = arith.constant 0 : i32
    %c0_i32_0 = arith.constant 0 : i32
    %c0_i32_1 = arith.constant 0 : i32
    return %c0_i32, %c0_i32_0 : i32, i32
  }
  func.func @transform_5(%arg0: i32, %arg1: i32) -> (i32, i32, i32) {
    %c0_i32 = arith.constant 0 : i32
    %c0_i32_0 = arith.constant 0 : i32
    return %arg0, %arg1, %c0_i32 : i32, i32, i32
  }
}

</mosaic_0001>

<sc_bundles>
// kernel: body.8.cloned.1.call-start
scs
__scs_entry_jumppad:
0x0: {  	(pc) =	sbr.rel $0x88, $3  }
0x1: {  	(tag) =	ssettag $0x0;
	lr =	simm.s32 $0x1  }
0x2: {  	[smem:$0x3F93] =	sst lr;
	_ =	strace $0xD0000000  }
0x3: {  	_ = 	snop  }
0x4: {  	_ = 	snop  }
0x5: {  	_ = 	snop  }
0x6: {  	_ = 	snop  }
0x7: {  	_ = 	snop  }
__scs_overlays_trampoline_lowered:
0x8: {  	[smem:$0x3FA2] =	sst s0  }
0x9: {  	[smem:$0x3FA3] =	sst s1  }
0xa: {  	[smem:$0x3FA4] =	sst s2  }
0xb: {  	[smem:$0x3FA5] =	sst s3  }
0xc: {  	[smem:$0x3FA6] =	sst s4  }
0xd: {  	[smem:$0x3FA7] =	sst s5  }
0xe: {  	[smem:$0x3FA8] =	sst s6  }
0xf: {  	[smem:$0x3FA9] =	sst s7  }
0x10: {  	[smem:$0x3FAA] =	sst s8  }
0x11: {  	[smem:$0x3FAB] =	sst s9;
	s0 =	simm.s32 @!p0 $0x0  }
0x12: {  	s1 =	sld [smem:$0x3F91];
	s0 =	simm.s32 @p0 $0x1  }
0x13: {  	[smem:$0x3FAC] =	sst s0;
	s0 =	simm.s32 @!p1 $0x0  }
0x14: {  	s2 =	sld [smem:$0x3F90];
	s0 =	simm.s32 @p1 $0x1  }
0x15: {  	[smem:$0x3FAD] =	sst s0;
	s0 =	simm.s32 @!p2 $0x0  }
0x16: {  	s3 =	sld [smem:$0x3FDB];
	s0 =	simm.s32 @p2 $0x1  }
0x17: {  	s4 =	simm.s32 $0x1BF5;
	[smem:$0x3FAF] =	sst s0  }
0x18: {  	s0 =	sld [smem:$0x3F92];
	_ =	swait.ge [sflag:s4], $0x0  }
0x19: {  	s7 =	sld [smem:$0x3F93]  }
0x1a: {  	s8 =	sadd.s32 $0xFFFFE003, lr  }
0x1b: {  	s9 =	sadd.s32 $0xFFFFFEF7, lr;
	s5 =	simm.s32 $0xFFFFFFFF;
	p2 =	slt.u32 s8, $0xFFFFF086  }
0x1c: {  	p1 =	slt.u32 s9, $0xF7A;
	s5 =	simm.s32 @!p2 $0x0  }
0x1d: {  	s5 =	simm.s32 @p1 $0x1;
	p0 =	seq.s32 s7, s2  }
0x1e: {  	s7 =	smul.u32 @!p0 $0xF7A, s2;
	p2 =	seq.s32 @!p0 s5, $0x0  }
0x1f: {  	s9 =	smul.u32 $0xF7A, s1;
	s8 =	simm.s32 @!p0 $0x1BF5;
	p2 =	por !p2, p0  }
0x20: {  	[sflag:s8] =	ssyncset.s32 @!p0 $0xFFFFF086;
	s6 =	sadd.s32 @!p0 s3, s7;
	s7 =	simm.s32 @!p0 $0x108  }
0x21: {  	s3 =	sadd.s32 s3, s9;
	s6 =	sadd.s32 @!p0 $0x88, s6;
	s7 =	simm.s32 @p2 $0x1082  }
0x22: {  	[simem:s7], [sflag:s8] =	dma.local @!p0 [hbm:s6], $0xF7A  }
0x23: {  	s9 =	sor.u32 $0xD0000000, s2;
	s6 =	simm.s32 $0x108;
	_ =	swait.ge @!p0 [sflag:s8], $0x0  }
0x24: {  	s3 =	sadd.s32 $0x88, s3;
	s6 =	simm.s32 @!p1 $0x1082;
	[sflag:s4] =	ssyncset.s32 $0xFFFFF086  }
0x25: {  	[simem:s6], [sflag:s4] =	dma.local [hbm:s3], $0xF7A  }
0x26: {  	[smem:$0x3F93] =	sst s1;
	(tag) =	ssettag s2;
	_ =	strace s9  }
0x27: {  	s1 =	sld [smem:$0x3FA3]  }
0x28: {  	s2 =	sld [smem:$0x3FA4]  }
0x29: {  	s4 =	sld [smem:$0x3FA6]  }
0x2a: {  	p0 =	seq.s32 s5, $0x0;
	s5 =	sld [smem:$0x3FA7]  }
0x2b: {  	s6 =	sld [smem:$0x3FA8]  }
0x2c: {  	s7 =	sld [smem:$0x3FA9]  }
0x2d: {  	s3 =	simm.s32 $0x108;
	s8 =	sld [smem:$0x3FAA]  }
0x2e: {  	s3 =	simm.s32 @!p0 $0x1082;
	s9 =	sld [smem:$0x3FAB]  }
0x2f: {  	lr =	sadd.s32 s0, s3;
	s0 =	sld [smem:$0x3FA2]  }
0x30: {  	s3 =	sld [smem:$0x3FA5]  }
0x31: {  	[smem:$0x3FAE] =	sst s10  }
0x32: {  	s10 =	sld [smem:$0x3FAC];
	_ =	sdelay $0x3  }
0x33: {  	p0 =	seq.s32 s10, $0x1;
	s10 =	sld [smem:$0x3FAE];
	_ =	sdelay $0x3  }
0x34: {  	[smem:$0x3FAE] =	sst s10  }
0x35: {  	s10 =	sld [smem:$0x3FAD];
	_ =	sdelay $0x3  }
0x36: {  	p1 =	seq.s32 s10, $0x1;
	s10 =	sld [smem:$0x3FAE];
	_ =	sdelay $0x3  }
0x37: {  	[smem:$0x3FAE] =	sst s10  }
0x38: {  	s10 =	sld [smem:$0x3FAF]  }
0x39: {  	_ = 	snop;
	(pc) =	sbr.ind lr, $3  }
0x3a: {  	_ = 	snop  }
0x3b: {  	_ = 	snop  }
0x3c: {  	p2 =	seq.s32 s10, $0x1;
	s10 =	sld [smem:$0x3FAE]  }
0x3d: {  	_ =	shalt  }
0x3e: {  	_ =	shalt  }
0x3f: {  	_ =	shalt  }
0x40: {  	_ =	shalt  }
0x41: {  	_ =	shalt  }
0x42: {  	_ =	shalt  }
0x43: {  	_ =	shalt  }
0x44: {  	_ =	shalt  }
0x45: {  	_ =	shalt  }
0x46: {  	_ =	shalt  }
0x47: {  	_ =	shalt  }
0x48: {  	_ =	shalt  }
0x49: {  	_ =	shalt  }
0x4a: {  	_ =	shalt  }
0x4b: {  	_ =	shalt  }
0x4c: {  	_ =	shalt  }
0x4d: {  	_ =	shalt  }
0x4e: {  	_ =	shalt  }
0x4f: {  	_ =	shalt  }
0x50: {  	_ =	shalt  }
0x51: {  	_ =	shalt  }
0x52: {  	_ =	shalt  }
0x53: {  	_ =	shalt  }
0x54: {  	_ =	shalt  }
0x55: {  	_ =	shalt  }
0x56: {  	_ =	shalt  }
0x57: {  	_ =	shalt  }
0x58: {  	_ =	shalt  }
0x59: {  	_ =	shalt  }
0x5a: {  	_ =	shalt  }
0x5b: {  	_ =	shalt  }
0x5c: {  	_ =	shalt  }
0x5d: {  	_ =	shalt  }
0x5e: {  	_ =	shalt  }
0x5f: {  	_ =	shalt  }
0x60: {  	_ =	shalt  }
0x61: {  	_ =	shalt  }
0x62: {  	_ =	shalt  }
0x63: {  	_ =	shalt  }
0x64: {  	_ =	shalt  }
0x65: {  	_ =	shalt  }
0x66: {  	_ =	shalt  }
0x67: {  	_ =	shalt  }
0x68: {  	_ =	shalt  }
0x69: {  	_ =	shalt  }
0x6a: {  	_ =	shalt  }
0x6b: {  	_ =	shalt  }
0x6c: {  	_ =	shalt  }
0x6d: {  	_ =	shalt  }
0x6e: {  	_ =	shalt  }
0x6f: {  	_ =	shalt  }
0x70: {  	_ =	shalt  }
0x71: {  	_ =	shalt  }
0x72: {  	_ =	shalt  }
0x73: {  	_ =	shalt  }
0x74: {  	_ =	shalt  }
0x75: {  	_ =	shalt  }
0x76: {  	_ =	shalt  }
0x77: {  	_ =	shalt  }
0x78: {  	_ =	shalt  }
0x79: {  	_ =	shalt  }
0x7a: {  	_ =	shalt  }
0x7b: {  	_ =	shalt  }
0x7c: {  	_ =	shalt  }
0x7d: {  	_ =	shalt  }
0x7e: {  	_ =	shalt  }
0x7f: {  	_ =	shalt  }
0x80: {  	_ =	shalt  }
0x81: {  	_ =	shalt  }
0x82: {  	_ =	shalt  }
0x83: {  	_ =	shalt  }
0x84: {  	_ =	shalt  }
0x85: {  	_ =	shalt  }
0x86: {  	_ =	shalt  }
0x87: {  	_ =	shalt  }
.Lfunc_end0:
.L_simem_size_0:
called_computation_lowered:
.L_overlay_start_0:
0x88: {  	s2 =	sld [smem:$0x3FD9]  }
0x89: {  	s3 =	sld [smem:$0x3FFE];
	_ =	sdelay $0x1  }
0x8a: {  	s1 =	srdreg.scid  }
0x8b: {  	s0 =	sand.u32 $0x1, s1  }
0x8c: {  	s14 =	sshll.u32 s0, $0xA;
	s2 =	sadd.s32 s3, s2  }
0x8d: {  	s2 =	sadd.s32 s2, s14  }
0x8e: {  	[smem:$0x3FBA] =	sst s2  }
0x8f: {  	_ = 	snop  }
0x90: {  	s2 =	sld [smem:$0x3FD0];
	_ =	sdelay $0x2  }
0x91: {  	s15 =	simm.s32 $0xA;
	s4 =	simm.s32 $0x10  }
0x92: {  	[smem:s4], [sflag:s15] =	dma.local [hbm:s2], $0x1  }
0x93: {  	_ =	swait.eq [sflag:s15], $0x1  }
0x94: {  	[sflag:s15] =	ssyncset.done $0x0  }
0x95: {  	s16 =	sld [smem:$0x10];
	[sflag:s15] =	ssyncadd.s32 $0xFFFFFFFF  }
0x96: {  	s17 =	sld [smem:$0x11];
	(tm) =	ssettm $0x1  }
0x97: {  	s18 =	sld [smem:$0x3FFB];
	_ =	sdelay $0x3  }
0x98: {  	_ =	strace s18  }
0x99: {  	s4 =	sld [smem:$0x3FFC];
	_ =	sdelay $0x3  }
0x9a: {  	_ =	strace s4  }
0x9b: {  	s4 =	sld [smem:$0x3FFD];
	_ =	sdelay $0x3  }
0x9c: {  	_ =	strace s4  }
0x9d: {  	_ =	strace $0x8FFFFFFF  }
0x9e: {  	s19 =	sld [smem:$0x3FDB];
	_ =	sdelay $0x1  }
0x9f: {  	s5 =	simm.s32 $_scs_section_size  }
0xa0: {  	s6 =	simm.s32 $_size__tile_overlayer_lowered;
	s7 =	simm.s32 $_tile_overlayer_lowered  }
0xa1: {  	s22 =	simm.s32 $0x1BFF;
	s21 =	sshll.u32 s7, $0x1;
	s4 =	sadd.s32 s5, s19  }
0xa2: {  	s8 =	simm.s32 $0x0;
	s20 =	sshll.u32 s6, $0x1;
	s6 =	sadd.s32 s21, s4  }
0xa3: {  	[timem:s8], [sflag:s22] =	dma.local [hbm:s6], s20  }
0xa4: {  	_ =	swait.ge [sflag:s22], s20  }
0xa5: {  	s5 =	ssub.s32 $0x0, s20;
	[sflag:s22] =	ssyncset.done $0x0  }
0xa6: {  	[sflag:s22] =	ssyncadd.s32 s5;
	_ =	sdelay $0x1  }
0xa7: {  	s23 =	simm.s32 $0x1B8B  }
0xa8: {  	_ =	swait.ge [sflag:s23], $0x1  }
0xa9: {  	[sflag:s23] =	ssyncset.done $0x0  }
0xaa: {  	s25 =	simm.s32 $0x1B8E;
	s24 =	sld [smem:$0x3FFE];
	[sflag:s23] =	ssyncadd.s32 $0xFFFFFFFF  }
0xab: {  	s26 =	simm.s32 $execute0_lowered;
	[smem:$0x3FD2] =	sst s25  }
0xac: {  	s6 =	sshll.u32 s26, $0x1;
	_ =	strace $0x80000049;
	[dreg:$0x1] =	wrdreg $0xFFFFFFFF  }
0xad: {  	s28 =	simm.s32 $_size_execute0_lowered;
	s4 =	sadd.s32 s4, s6;
	[dreg:$0x0] =	wrdreg $0x0  }
0xae: {  	s6 =	sshll.u32 s28, $0x1;
	[dreg:$0x2] =	wrdreg s4  }
0xaf: {  	[dreg:$0x3] =	wrdreg s6  }
0xb0: {  	[dreg:$0x4] =	wrdreg $0xC0  }
0xb1: {  	_ =	task [dreg:s8], $0x5FFFF  }
0xb2: {  	[dreg:$0x1] =	wrdreg $0xFFFFFFFF  }
0xb3: {  	[dreg:$0x0] =	wrdreg $0x60  }
0xb4: {  	[dreg:$0x2] =	wrdreg s17  }
0xb5: {  	[dreg:$0x3] =	wrdreg s16  }
0xb6: {  	[dreg:$0x4] =	wrdreg s24  }
0xb7: {  	[dreg:$0x5] =	wrdreg $0xA0000  }
0xb8: {  	[dreg:$0x6] =	wrdreg $0x9  }
0xb9: {  	_ =	task.clear_ibuf [dreg:s8], $0x7FFFF;
	_ =	strace $0x90000049  }
0xba: {  	s29 =	simm.s32 $0x9;
	_ =	strace $0x8000004B  }
0xbb: {  	_ =	swait.ge [sflag:s29], $0x1  }
0xbc: {  	[sflag:s29] =	ssyncadd.s32 $0xFFFFFFFF  }
0xbd: {  	_ =	strace $0x9000004B  }
0xbe: {  	_ =	sfence  }
0xbf: {  	s30 =	sld [smem:$0x0];
	_ =	sdelay $0x2  }
0xc0: {  	s31 =	sshll.u32 s1, $0xD;
	s1 =	sshrl.u32 s1, $0x2  }
0xc1: {  	s3 =	sand.u32 $0x4000, s31;
	s1 =	sadd.s32 s1, s30  }
0xc2: {  	s0 =	sor.u32 s3, s0;
	s1 =	sshll.u32 s1, $0x11  }
0xc3: {  	s0 =	sor.u32 s1, s0  }
0xc4: {  	s0 =	sadd.s32 $0x8F2B, s0  }
0xc5: {  	[sflag:s0] =	ssyncadd.remote.s32 $0x1  }
0xc6: {  	_ =	sfence.sel $0xFFFF  }
0xc7: {  	[dreg:$0x0] =	wrdreg $0xFFFFFFFF;
	(pc) =	sbr.abs _section_cstart, $3  }
0xc8: {  	[dreg:$0x1] =	wrdreg $0xFFFFFFFF  }
0xc9: {  	_ =	task.clear_ibuf [dreg:s8], $0x2FFFF;
	_ =	strace $0x9FFFFFFF  }
0xca: {  	(tm) =	ssettm $0x7FFFFFFF  }
0xcb: {  	_ =	shalt  }
tec
execute0_lowered:
.L_overlay_start_1:
0x0: {  	(tag) =	ssettag $0x1  }
0x1: {  	s1 =	rddreg [dreg:$0x0]  }
0x2: {  	s2 =	rddreg [dreg:$0x1]  }
0x3: {  	s8 =	rddreg [dreg:$0x2]  }
0x4: {  	s4 =	rddreg [dreg:$0x3]  }
0x5: {  	s0 =	rddreg [dreg:$0x4];
	s6 =	srdreg.scid  }
0x6: {  	s3 =	stileid.u32;
	s5 =	simm.s32 $0x0;
	s14 =	simm.s32 $0x1000  }
0x7: {  	s15 =	simm.s32 $0x80;
	s16 =	simm.s32 $0x2000;
	s17 =	simm.s32 $0x6000  }
0x8: {  	s18 =	simm.s32 $0x1;
	s19 =	simm.s32 $0x1F00;
	s20 =	simm.s32 $0x1F80  }
0x9: {  	s9 =	sand.u32 $0x1, s6;
	s7 =	smul.u32 $0x2780, s3;
	[smem:$0x7FF] =	sst s5  }
0xa: {  	s6 =	sadd.s32 $0x140000, s8;
	s13 =	smul.u32 $0x4F000, s3;
	s31 =	sshll.u32 s3, $0x6  }
0xb: {  	s10 =	smul.u32 $0x27800, s9;
	_ =	strace $0x8000004A;
	s11 =	ssub.s32 $0x2, s9  }
0xc: {  	s9 =	sshll.u32 s9, $0x4;
	s12 =	sshrl.u32 s11, $0x1;
	s30 =	sshrl.u32 s13, $0x2  }
0xd: {  	s9 =	sor.u32 s3, s9;
	s10 =	sadd.s32 s7, s10;
	s7 =	sadd.s32 $0x18E200, s8  }
0xe: {  	s11 =	ssub.s32 s11, s12;
	s13 =	sadd.s32 s30, s4;
	s9 =	smul.u32 $0x5000, s9  }
0xf: {  	s10 =	sadd.s32 s10, s8;
	s8 =	sor.u32 $0x1C02, s31;
	s11 =	smax.u32 s11, $0x1  }
0x10: {  	s12 =	sshrl.u32 s13, $0x3;
	s13 =	simm.s32 $0x2;
	s10 =	sadd.s32 $0x190A00, s10  }
.LBB2_1:
0x11: {  	[spmem:s12], [sflag:s8] =	dma.local [hbm:s7], $0x2780  }
0x12: {  	_ =	swait.ge [sflag:s13], $0x2780  }
0x13: {  	[sflag:s13] =	ssyncset.done $0x0  }
0x14: {  	[sflag:s13] =	ssyncadd.s32 $0xFFFFD880  }
0x15: {  	s21 =	simm.s32 $0x0;
	[bflag:$0x0] =	sbarrier.arrive $0xFFFF  }
.LBB2_2:
0x16: {  	s22 =	sshll.u32 s21, $0xC  }
0x17: {  	s22 =	sadd.s32 s9, s22  }
0x18: {  	s22 =	sshrl.u32 s22, $0x3  }
0x19: {  	s24 =	simm.s32 $0x0;
	s23 =	sadd.s32 s1, s22  }
0x1a: {  	[tilespmem:s24], [sflag:$0x2] =	stream.linear.gather [hbm4b:s23+s24], $0x1000, $0x38;
	[tilespmem:$0x1DC00] =	vst v63  }
0x1b: {  	_ =	swait.ge [sflag:s13], $0x1000  }
0x1c: {  	[sflag:s13] =	ssyncset.done $0x0  }
0x1d: {  	s22 =	sadd.s32 s2, s22;
	[sflag:s13] =	ssyncadd.s32 $0xFFFFF000  }
0x1e: {  	[tilespmem:s14], [sflag:$0x2] =	stream.linear.gather [hbm4b:s22+s24], $0x1000, $0x38;
	[tilespmem:$0x1DC00] =	vst v63  }
0x1f: {  	_ =	swait.ge [sflag:s13], $0x1000  }
0x20: {  	[sflag:s13] =	ssyncset.done $0x0  }
0x21: {  	[sflag:s13] =	ssyncadd.s32 $0xFFFFF000  }
0x22: {  	[tilespmem:s16], [sflag:$0x1] =	stream.indirect.gather [hbm4b:s6+s15], $0x80, s24, s15, $0xb8;
	[tilespmem:$0x1DC00] =	vst v63  }
0x23: {  	_ = 	snop  }
0x24: {  	[tilespmem:s17], [sflag:$0x1] =	stream.indirect.gather [hbm4b:s6+s15], $0x80, s15, s15, $0xb8;
	[tilespmem:$0x1DC00] =	vst v63  }
0x25: {  	_ =	swait.ge [sflag:s18], $0x4000  }
0x26: {  	[sflag:s18] =	ssyncset.done $0x0  }
0x27: {  	s29 =	simm.s32 $0x1000;
	[sflag:s18] =	ssyncadd.s32 $0xFFFFC000  }
0x28: {  	[spmem:s4] =	stream.indirect.scatter.add.f32 [tilespmem:s16], [sflag:$0x2], $0x80, s29, s15, $0xb8;
	[tilespmem:$0x1DC00] =	vst v63  }
0x29: {  	_ =	swait.ge [sflag:s13], $0x4000  }
0x2a: {  	[sflag:s13] =	ssyncset.done $0x0  }
0x2b: {  	s30 =	simm.s32 $0x100;
	[sflag:s13] =	ssyncadd.s32 $0xFFFFC000  }
0x2c: {  	[tilespmem:s16], [sflag:$0x1] =	stream.indirect.gather [hbm4b:s6+s15], $0x80, s30, s15, $0xb8;
	[tilespmem:$0x1DC00] =	vst v63  }
0x2d: {  	_ =	swait.ge [sflag:s18], $0x4000  }
0x2e: {  	[sflag:s18] =	ssyncset.done $0x0  }
0x2f: {  	s31 =	simm.s32 $0x1080;
	[sflag:s18] =	ssyncadd.s32 $0xFFFFC000  }
0x30: {  	[spmem:s4] =	stream.indirect.scatter.add.f32 [tilespmem:s17], [sflag:$0x2], $0x80, s31, s15, $0xb8;
	[tilespmem:$0x1DC00] =	vst v63  }
0x31: {  	_ =	swait.ge [sflag:s13], $0x4000  }
0x32: {  	[sflag:s13] =	ssyncset.done $0x0  }
0x33: {  	s23 =	simm.s32 $0x180;
	s22 =	simm.s32 $0x400;
	[sflag:s13] =	ssyncadd.s32 $0xFFFFC000  }
.LBB2_3:
0x34: {  	[tilespmem:s17], [sflag:$0x1] =	stream.indirect.gather [hbm4b:s6+s15], $0x80, s23, s15, $0xb8;
	[tilespmem:$0x1DC00] =	vst v63  }
0x35: {  	s23 =	smov.u32 s22  }
0x36: {  	p0 =	sne.s32 s22, $0x3800;
	s22 =	sadd.s32 $0x400, s22;
	_ =	swait.ge [sflag:s18], $0x4000  }
0x37: {  	s23 =	sshra.s32 s23, $0x2;
	[sflag:s18] =	ssyncset.done $0x0  }
0x38: {  	s24 =	sadd.s32 $0x1000, s23;
	[sflag:s18] =	ssyncadd.s32 $0xFFFFC000  }
0x39: {  	[spmem:s4] =	stream.indirect.scatter.add.f32 [tilespmem:s16], [sflag:$0x2], $0x80, s24, s15, $0xb8;
	[tilespmem:$0x1DC00] =	vst v63  }
0x3a: {  	_ =	swait.ge [sflag:s13], $0x4000  }
0x3b: {  	[sflag:s13] =	ssyncset.done $0x0  }
0x3c: {  	s24 =	sadd.s32 $0x100, s23;
	[sflag:s13] =	ssyncadd.s32 $0xFFFFC000  }
0x3d: {  	[tilespmem:s16], [sflag:$0x1] =	stream.indirect.gather [hbm4b:s6+s15], $0x80, s24, s15, $0xb8;
	[tilespmem:$0x1DC00] =	vst v63  }
0x3e: {  	_ =	swait.ge [sflag:s18], $0x4000  }
0x3f: {  	[sflag:s18] =	ssyncset.done $0x0  }
.Ltmp0:
0x40: {  	s24 =	sadd.s32 $0x1080, s23;
	[sflag:s18] =	ssyncadd.s32 $0xFFFFC000;
	(pc) =	sbr.rel @p0 .LBB2_3-.Ltmp0, $4  }
0x41: {  	[spmem:s4] =	stream.indirect.scatter.add.f32 [tilespmem:s17], [sflag:$0x2], $0x80, s24, s15, $0xb8;
	[tilespmem:$0x1DC00] =	vst v63  }
0x42: {  	_ =	swait.ge [sflag:s13], $0x4000  }
0x43: {  	[sflag:s13] =	ssyncset.done $0x0  }
0x44: {  	s23 =	sadd.s32 $0x180, s23;
	[sflag:s13] =	ssyncadd.s32 $0xFFFFC000  }
0x45: {  	[tilespmem:s17], [sflag:$0x1] =	stream.indirect.gather [hbm4b:s6+s15], $0x80, s23, s15, $0xb8;
	[tilespmem:$0x1DC00] =	vst v63  }
0x46: {  	_ =	swait.ge [sflag:s18], $0x4000  }
0x47: {  	[sflag:s18] =	ssyncset.done $0x0  }
0x48: {  	[sflag:s18] =	ssyncadd.s32 $0xFFFFC000  }
0x49: {  	[spmem:s4] =	stream.indirect.scatter.add.f32 [tilespmem:s16], [sflag:$0x2], $0x80, s19, s15, $0xb8;
	[tilespmem:$0x1DC00] =	vst v63  }
0x4a: {  	_ =	swait.ge [sflag:s13], $0x4000  }
0x4b: {  	[sflag:s13] =	ssyncset.done $0x0  }
0x4c: {  	[sflag:s13] =	ssyncadd.s32 $0xFFFFC000  }
0x4d: {  	s21 =	sadd.s32 $0x1, s21;
	_ =	swait.ge [sflag:s18], $0x4000  }
0x4e: {  	p0 =	sne.s32 s21, $0x5;
	[sflag:s18] =	ssyncset.done $0x0  }
.Ltmp1:
0x4f: {  	[sflag:s18] =	ssyncadd.s32 $0xFFFFC000;
	(pc) =	sbr.rel @p0 .LBB2_2-.Ltmp1, $4  }
0x50: {  	[spmem:s4] =	stream.indirect.scatter.add.f32 [tilespmem:s17], [sflag:$0x2], $0x80, s20, s15, $0xb8;
	[tilespmem:$0x1DC00] =	vst v63  }
0x51: {  	_ =	swait.ge [sflag:s13], $0x4000  }
0x52: {  	[sflag:s13] =	ssyncset.done $0x0  }
0x53: {  	[sflag:s13] =	ssyncadd.s32 $0xFFFFC000  }
0x54: {  	s5 =	sadd.s32 $0x1, s5  }
0x55: {  	p0 =	sne.s32 s5, s11  }
.Ltmp2:
0x56: {  	[bflag:$0x0] =	sbarrier.arrive $0xFFFF;
	(pc) =	sbr.rel @p0 .LBB2_1-.Ltmp2, $4  }
0x57: {  	[hbm:s10], [sflag:s8] =	dma.local [spmem:s12], $0x2780  }
0x58: {  	_ =	swait.ge [sflag:s13], $0x2780  }
0x59: {  	[sflag:s13] =	ssyncset.done $0x0  }
0x5a: {  	[sflag:s13] =	ssyncadd.s32 $0xFFFFD880  }
0x5b: {  	_ =	sfence.sel $0x180000  }
0x5c: {  	[bflag:$0x0] =	sbarrier.arrive $0xFFFF  }
0x5d: {  	p0 =	sne.s32 s3, $0x0;
	_ =	strace $0x9000004A  }
0x5e: {  	s0 =	sadd.s32 @!p0 $0x100000, s0;
	[bflag:$0x2] =	sbarrier.arrive $0xFFFF  }
0x5f: {  	[sflag:s0] =	ssyncadd.tile.s32 @!p0 $0x1;
	_ =	shalt  }
.Lfunc_end2:
_tile_overlayer_lowered:
.L_overlay_start_2:
0x60: {  	(tag) =	ssettag $0x2  }
0x61: {  	s0 =	rddreg [dreg:$0x0];
	s2 =	stileid.u32  }
0x62: {  	s1 =	rddreg [dreg:$0x1];
	p0 =	sne.s32 s2, $0x0  }
0x63: {  	s3 =	rddreg [dreg:$0x2];
	[bflag:$0x3] =	sbarrier.arrive $0xFFFF;
	s2 =	simm.s32 @!p0 $0x1C02  }
0x64: {  	[timem:s3], [sflag:s2] =	dma.local @!p0 [hbm:s0], s1  }
0x65: {  	s0 =	simm.s32 @!p0 $0x2  }
0x66: {  	_ =	swait.ge @!p0 [sflag:s0], s1  }
0x67: {  	s1 =	ssub.s32 @!p0 $0x0, s1;
	[sflag:s0] =	ssyncset.done @!p0 $0x0  }
0x68: {  	[sflag:s0] =	ssyncadd.s32 @!p0 s1  }
0x69: {  	[bflag:$0x3] =	sbarrier.arrive $0xFFFF  }
0x6a: {  	_ =	shalt  }

// kernel: kernel.5.cloned.1.call-start
scs
__scs_entry_jumppad:
0x0: {  	(pc) =	sbr.rel $0x88, $3  }
0x1: {  	(tag) =	ssettag $0x0;
	lr =	simm.s32 $0x1  }
0x2: {  	[smem:$0x3F93] =	sst lr;
	_ =	strace $0xD0000000  }
0x3: {  	_ = 	snop  }
0x4: {  	_ = 	snop  }
0x5: {  	_ = 	snop  }
0x6: {  	_ = 	snop  }
0x7: {  	_ = 	snop  }
__scs_overlays_trampoline_lowered:
0x8: {  	[smem:$0x3FA2] =	sst s0  }
0x9: {  	[smem:$0x3FA3] =	sst s1  }
0xa: {  	[smem:$0x3FA4] =	sst s2  }
0xb: {  	[smem:$0x3FA5] =	sst s3  }
0xc: {  	[smem:$0x3FA6] =	sst s4  }
0xd: {  	[smem:$0x3FA7] =	sst s5  }
0xe: {  	[smem:$0x3FA8] =	sst s6  }
0xf: {  	[smem:$0x3FA9] =	sst s7  }
0x10: {  	[smem:$0x3FAA] =	sst s8  }
0x11: {  	[smem:$0x3FAB] =	sst s9;
	s0 =	simm.s32 @!p0 $0x0  }
0x12: {  	s1 =	sld [smem:$0x3F91];
	s0 =	simm.s32 @p0 $0x1  }
0x13: {  	[smem:$0x3FAC] =	sst s0;
	s0 =	simm.s32 @!p1 $0x0  }
0x14: {  	s2 =	sld [smem:$0x3F90];
	s0 =	simm.s32 @p1 $0x1  }
0x15: {  	[smem:$0x3FAD] =	sst s0;
	s0 =	simm.s32 @!p2 $0x0  }
0x16: {  	s3 =	sld [smem:$0x3FDB];
	s0 =	simm.s32 @p2 $0x1  }
0x17: {  	s4 =	simm.s32 $0x1BF5;
	[smem:$0x3FAF] =	sst s0  }
0x18: {  	s0 =	sld [smem:$0x3F92];
	_ =	swait.ge [sflag:s4], $0x0  }
0x19: {  	s7 =	sld [smem:$0x3F93]  }
0x1a: {  	s8 =	sadd.s32 $0xFFFFE003, lr  }
0x1b: {  	s9 =	sadd.s32 $0xFFFFFEF7, lr;
	s5 =	simm.s32 $0xFFFFFFFF;
	p2 =	slt.u32 s8, $0xFFFFF086  }
0x1c: {  	p1 =	slt.u32 s9, $0xF7A;
	s5 =	simm.s32 @!p2 $0x0  }
0x1d: {  	s5 =	simm.s32 @p1 $0x1;
	p0 =	seq.s32 s7, s2  }
0x1e: {  	s7 =	smul.u32 @!p0 $0xF7A, s2;
	p2 =	seq.s32 @!p0 s5, $0x0  }
0x1f: {  	s9 =	smul.u32 $0xF7A, s1;
	s8 =	simm.s32 @!p0 $0x1BF5;
	p2 =	por !p2, p0  }
0x20: {  	[sflag:s8] =	ssyncset.s32 @!p0 $0xFFFFF086;
	s6 =	sadd.s32 @!p0 s3, s7;
	s7 =	simm.s32 @!p0 $0x108  }
0x21: {  	s3 =	sadd.s32 s3, s9;
	s6 =	sadd.s32 @!p0 $0x88, s6;
	s7 =	simm.s32 @p2 $0x1082  }
0x22: {  	[simem:s7], [sflag:s8] =	dma.local @!p0 [hbm:s6], $0xF7A  }
0x23: {  	s9 =	sor.u32 $0xD0000000, s2;
	s6 =	simm.s32 $0x108;
	_ =	swait.ge @!p0 [sflag:s8], $0x0  }
0x24: {  	s3 =	sadd.s32 $0x88, s3;
	s6 =	simm.s32 @!p1 $0x1082;
	[sflag:s4] =	ssyncset.s32 $0xFFFFF086  }
0x25: {  	[simem:s6], [sflag:s4] =	dma.local [hbm:s3], $0xF7A  }
0x26: {  	[smem:$0x3F93] =	sst s1;
	(tag) =	ssettag s2;
	_ =	strace s9  }
0x27: {  	s1 =	sld [smem:$0x3FA3]  }
0x28: {  	s2 =	sld [smem:$0x3FA4]  }
0x29: {  	s4 =	sld [smem:$0x3FA6]  }
0x2a: {  	p0 =	seq.s32 s5, $0x0;
	s5 =	sld [smem:$0x3FA7]  }
0x2b: {  	s6 =	sld [smem:$0x3FA8]  }
0x2c: {  	s7 =	sld [smem:$0x3FA9]  }
0x2d: {  	s3 =	simm.s32 $0x108;
	s8 =	sld [smem:$0x3FAA]  }
0x2e: {  	s3 =	simm.s32 @!p0 $0x1082;
	s9 =	sld [smem:$0x3FAB]  }
0x2f: {  	lr =	sadd.s32 s0, s3;
	s0 =	sld [smem:$0x3FA2]  }
0x30: {  	s3 =	sld [smem:$0x3FA5]  }
0x31: {  	[smem:$0x3FAE] =	sst s10  }
0x32: {  	s10 =	sld [smem:$0x3FAC];
	_ =	sdelay $0x3  }
0x33: {  	p0 =	seq.s32 s10, $0x1;
	s10 =	sld [smem:$0x3FAE];
	_ =	sdelay $0x3  }
0x34: {  	[smem:$0x3FAE] =	sst s10  }
0x35: {  	s10 =	sld [smem:$0x3FAD];
	_ =	sdelay $0x3  }
0x36: {  	p1 =	seq.s32 s10, $0x1;
	s10 =	sld [smem:$0x3FAE];
	_ =	sdelay $0x3  }
0x37: {  	[smem:$0x3FAE] =	sst s10  }
0x38: {  	s10 =	sld [smem:$0x3FAF]  }
0x39: {  	_ = 	snop;
	(pc) =	sbr.ind lr, $3  }
0x3a: {  	_ = 	snop  }
0x3b: {  	_ = 	snop  }
0x3c: {  	p2 =	seq.s32 s10, $0x1;
	s10 =	sld [smem:$0x3FAE]  }
0x3d: {  	_ =	shalt  }
0x3e: {  	_ =	shalt  }
0x3f: {  	_ =	shalt  }
0x40: {  	_ =	shalt  }
0x41: {  	_ =	shalt  }
0x42: {  	_ =	shalt  }
0x43: {  	_ =	shalt  }
0x44: {  	_ =	shalt  }
0x45: {  	_ =	shalt  }
0x46: {  	_ =	shalt  }
0x47: {  	_ =	shalt  }
0x48: {  	_ =	shalt  }
0x49: {  	_ =	shalt  }
0x4a: {  	_ =	shalt  }
0x4b: {  	_ =	shalt  }
0x4c: {  	_ =	shalt  }
0x4d: {  	_ =	shalt  }
0x4e: {  	_ =	shalt  }
0x4f: {  	_ =	shalt  }
0x50: {  	_ =	shalt  }
0x51: {  	_ =	shalt  }
0x52: {  	_ =	shalt  }
0x53: {  	_ =	shalt  }
0x54: {  	_ =	shalt  }
0x55: {  	_ =	shalt  }
0x56: {  	_ =	shalt  }
0x57: {  	_ =	shalt  }
0x58: {  	_ =	shalt  }
0x59: {  	_ =	shalt  }
0x5a: {  	_ =	shalt  }
0x5b: {  	_ =	shalt  }
0x5c: {  	_ =	shalt  }
0x5d: {  	_ =	shalt  }
0x5e: {  	_ =	shalt  }
0x5f: {  	_ =	shalt  }
0x60: {  	_ =	shalt  }
0x61: {  	_ =	shalt  }
0x62: {  	_ =	shalt  }
0x63: {  	_ =	shalt  }
0x64: {  	_ =	shalt  }
0x65: {  	_ =	shalt  }
0x66: {  	_ =	shalt  }
0x67: {  	_ =	shalt  }
0x68: {  	_ =	shalt  }
0x69: {  	_ =	shalt  }
0x6a: {  	_ =	shalt  }
0x6b: {  	_ =	shalt  }
0x6c: {  	_ =	shalt  }
0x6d: {  	_ =	shalt  }
0x6e: {  	_ =	shalt  }
0x6f: {  	_ =	shalt  }
0x70: {  	_ =	shalt  }
0x71: {  	_ =	shalt  }
0x72: {  	_ =	shalt  }
0x73: {  	_ =	shalt  }
0x74: {  	_ =	shalt  }
0x75: {  	_ =	shalt  }
0x76: {  	_ =	shalt  }
0x77: {  	_ =	shalt  }
0x78: {  	_ =	shalt  }
0x79: {  	_ =	shalt  }
0x7a: {  	_ =	shalt  }
0x7b: {  	_ =	shalt  }
0x7c: {  	_ =	shalt  }
0x7d: {  	_ =	shalt  }
0x7e: {  	_ =	shalt  }
0x7f: {  	_ =	shalt  }
0x80: {  	_ =	shalt  }
0x81: {  	_ =	shalt  }
0x82: {  	_ =	shalt  }
0x83: {  	_ =	shalt  }
0x84: {  	_ =	shalt  }
0x85: {  	_ =	shalt  }
0x86: {  	_ =	shalt  }
0x87: {  	_ =	shalt  }
.Lfunc_end0:
.L_simem_size_0:
called_computation.1_lowered:
.L_overlay_start_0:
0x88: {  	s2 =	sld [smem:$0x3FD9]  }
0x89: {  	s3 =	sld [smem:$0x3FFE];
	_ =	sdelay $0x1  }
0x8a: {  	s1 =	srdreg.scid  }
0x8b: {  	s0 =	sand.u32 $0x1, s1  }
0x8c: {  	s14 =	sshll.u32 s0, $0xA;
	s2 =	sadd.s32 s3, s2  }
0x8d: {  	s2 =	sadd.s32 s2, s14  }
0x8e: {  	[smem:$0x3FBA] =	sst s2  }
0x8f: {  	_ = 	snop  }
0x90: {  	s2 =	sld [smem:$0x3FD0];
	_ =	sdelay $0x2  }
0x91: {  	s15 =	simm.s32 $0xA;
	s4 =	simm.s32 $0x10  }
0x92: {  	[smem:s4], [sflag:s15] =	dma.local [hbm:s2], $0x1  }
0x93: {  	_ =	swait.eq [sflag:s15], $0x1  }
0x94: {  	[sflag:s15] =	ssyncset.done $0x0  }
0x95: {  	s16 =	sld [smem:$0x10];
	[sflag:s15] =	ssyncadd.s32 $0xFFFFFFFF  }
0x96: {  	s17 =	sld [smem:$0x11];
	(tm) =	ssettm $0x1  }
0x97: {  	s18 =	sld [smem:$0x3FFB];
	_ =	sdelay $0x3  }
0x98: {  	_ =	strace s18  }
0x99: {  	s4 =	sld [smem:$0x3FFC];
	_ =	sdelay $0x3  }
0x9a: {  	_ =	strace s4  }
0x9b: {  	s4 =	sld [smem:$0x3FFD];
	_ =	sdelay $0x3  }
0x9c: {  	_ =	strace s4  }
0x9d: {  	_ =	strace $0x8FFFFFFF  }
0x9e: {  	s19 =	sld [smem:$0x3FDB];
	_ =	sdelay $0x1  }
0x9f: {  	s5 =	simm.s32 $_scs_section_size  }
0xa0: {  	s6 =	simm.s32 $_size__tile_overlayer_lowered;
	s7 =	simm.s32 $_tile_overlayer_lowered  }
0xa1: {  	s22 =	simm.s32 $0x1BFF;
	s21 =	sshll.u32 s7, $0x1;
	s4 =	sadd.s32 s5, s19  }
0xa2: {  	s8 =	simm.s32 $0x0;
	s20 =	sshll.u32 s6, $0x1;
	s6 =	sadd.s32 s21, s4  }
0xa3: {  	[timem:s8], [sflag:s22] =	dma.local [hbm:s6], s20  }
0xa4: {  	_ =	swait.ge [sflag:s22], s20  }
0xa5: {  	s5 =	ssub.s32 $0x0, s20;
	[sflag:s22] =	ssyncset.done $0x0  }
0xa6: {  	[sflag:s22] =	ssyncadd.s32 s5;
	_ =	sdelay $0x1  }
0xa7: {  	s23 =	simm.s32 $0x1B8B  }
0xa8: {  	_ =	swait.ge [sflag:s23], $0x1  }
0xa9: {  	[sflag:s23] =	ssyncset.done $0x0  }
0xaa: {  	s25 =	simm.s32 $0x1B8E;
	s24 =	sld [smem:$0x3FFE];
	[sflag:s23] =	ssyncadd.s32 $0xFFFFFFFF  }
0xab: {  	s26 =	simm.s32 $execute0_lowered;
	[smem:$0x3FD2] =	sst s25  }
0xac: {  	s6 =	sshll.u32 s26, $0x1;
	_ =	strace $0x80000046;
	[dreg:$0x1] =	wrdreg $0xFFFFFFFF  }
0xad: {  	s28 =	simm.s32 $_size_execute0_lowered;
	s4 =	sadd.s32 s4, s6;
	[dreg:$0x0] =	wrdreg $0x0  }
0xae: {  	s6 =	sshll.u32 s28, $0x1;
	[dreg:$0x2] =	wrdreg s4  }
0xaf: {  	[dreg:$0x3] =	wrdreg s6  }
0xb0: {  	[dreg:$0x4] =	wrdreg $0xC0  }
0xb1: {  	_ =	task [dreg:s8], $0x5FFFF  }
0xb2: {  	[dreg:$0x1] =	wrdreg $0xFFFFFFFF  }
0xb3: {  	[dreg:$0x0] =	wrdreg $0x60  }
0xb4: {  	[dreg:$0x2] =	wrdreg s16  }
0xb5: {  	[dreg:$0x3] =	wrdreg s24  }
0xb6: {  	[dreg:$0x4] =	wrdreg s17  }
0xb7: {  	[dreg:$0x5] =	wrdreg $0x50000  }
0xb8: {  	[dreg:$0x6] =	wrdreg $0x9  }
0xb9: {  	_ =	task.clear_ibuf [dreg:s8], $0x7FFFF;
	_ =	strace $0x90000046  }
0xba: {  	s29 =	simm.s32 $0x9;
	_ =	strace $0x80000048  }
0xbb: {  	_ =	swait.ge [sflag:s29], $0x1  }
0xbc: {  	[sflag:s29] =	ssyncadd.s32 $0xFFFFFFFF  }
0xbd: {  	_ =	strace $0x90000048  }
0xbe: {  	_ =	sfence  }
0xbf: {  	s30 =	sld [smem:$0x0];
	_ =	sdelay $0x2  }
0xc0: {  	s31 =	sshll.u32 s1, $0xD;
	s1 =	sshrl.u32 s1, $0x2  }
0xc1: {  	s3 =	sand.u32 $0x4000, s31;
	s1 =	sadd.s32 s1, s30  }
0xc2: {  	s0 =	sor.u32 s3, s0;
	s1 =	sshll.u32 s1, $0x11  }
0xc3: {  	s0 =	sor.u32 s1, s0  }
0xc4: {  	s0 =	sadd.s32 $0x8F2B, s0  }
0xc5: {  	[sflag:s0] =	ssyncadd.remote.s32 $0x1  }
0xc6: {  	_ =	sfence.sel $0xFFFF  }
0xc7: {  	[dreg:$0x0] =	wrdreg $0xFFFFFFFF;
	(pc) =	sbr.abs _section_cstart, $3  }
0xc8: {  	[dreg:$0x1] =	wrdreg $0xFFFFFFFF  }
0xc9: {  	_ =	task.clear_ibuf [dreg:s8], $0x2FFFF;
	_ =	strace $0x9FFFFFFF  }
0xca: {  	(tm) =	ssettm $0x7FFFFFFF  }
0xcb: {  	_ =	shalt  }
tec
execute0_lowered:
.L_overlay_start_1:
0x0: {  	(tag) =	ssettag $0x1  }
0x1: {  	s7 =	rddreg [dreg:$0x0]  }
0x2: {  	s6 =	rddreg [dreg:$0x1]  }
0x3: {  	s2 =	rddreg [dreg:$0x2]  }
0x4: {  	s3 =	rddreg [dreg:$0x3]  }
0x5: {  	s0 =	rddreg [dreg:$0x4]  }
0x6: {  	s5 =	srdreg.scid;
	s1 =	stileid.u32  }
0x7: {  	s4 =	simm.s32 $0x0;
	s13 =	simm.s32 $0x1000;
	s14 =	simm.s32 $0x1  }
0x8: {  	s17 =	simm.s32 $0x80;
	s18 =	simm.s32 $0x0;
	s8 =	smul.u32 $0x2780, s1  }
0x9: {  	s5 =	sand.u32 $0x1, s5;
	[smem:$0x7FF] =	sst s4;
	s11 =	smul.u32 $0x4F000, s1  }
0xa: {  	s15 =	sshll.u32 s1, $0x6;
	s9 =	smul.u32 $0x27800, s5;
	s10 =	sshll.u32 s5, $0x4  }
0xb: {  	_ =	strace $0x80000047;
	s29 =	ssub.s32 $0x2, s5;
	s10 =	sor.u32 s1, s10  }
0xc: {  	s5 =	sadd.s32 $0x5000, s6;
	s15 =	sor.u32 $0x1C01, s15;
	s10 =	smul.u32 $0x5000, s10  }
0xd: {  	s30 =	sshrl.u32 s29, $0x1;
	s31 =	sshrl.u32 s11, $0x2;
	s8 =	sadd.s32 s8, s9  }
0xe: {  	s16 =	sadd.s32 s31, s3;
	s6 =	sadd.s32 s8, s6;
	s10 =	sshrl.u32 s10, $0x3  }
0xf: {  	s8 =	ssub.s32 s29, s30;
	s16 =	sshrl.u32 s16, $0x3;
	s7 =	sadd.s32 s7, s10  }
0x10: {  	s6 =	sadd.s32 $0x5800, s6;
	s8 =	smax.u32 s8, $0x1;
	s9 =	sadd.s32 $0x200, s7  }
0x11: {  	s10 =	sadd.s32 $0x400, s7;
	s11 =	sadd.s32 $0x600, s7;
	s12 =	sadd.s32 $0x800, s7  }
.LBB2_1:
0x12: {  	[tilespmem:s13], [sflag:$0x1] =	stream.linear.gather [hbm4b:s5+s4], $0x4000, $0x38;
	[tilespmem:$0x18C00] =	vst v63  }
0x13: {  	_ =	swait.ge [sflag:s14], $0x4000  }
0x14: {  	[sflag:s14] =	ssyncset.done $0x0  }
0x15: {  	[sflag:s14] =	ssyncadd.s32 $0xFFFFC000  }
0x16: {  	[spmem:s16], [sflag:s15] =	dma.local [hbm:s2], $0x2780  }
0x17: {  	_ =	swait.ge [sflag:s14], $0x2780  }
0x18: {  	[sflag:s14] =	ssyncset.done $0x0  }
0x19: {  	[sflag:s14] =	ssyncadd.s32 $0xFFFFD880  }
0x1a: {  	[bflag:$0x0] =	sbarrier.arrive $0xFFFF  }
0x1b: {  	[tilespmem:s4], [sflag:$0x1] =	stream.linear.gather [hbm4b:s7+s4], $0x1000, $0x38;
	[tilespmem:$0x18C00] =	vst v63  }
0x1c: {  	_ =	swait.ge [sflag:s14], $0x1000  }
0x1d: {  	[sflag:s14] =	ssyncset.done $0x0  }
0x1e: {  	s19 =	simm.s32 $0x0;
	[sflag:s14] =	ssyncadd.s32 $0xFFFFF000  }
0x1f: {  	[spmem:s3] =	stream.indirect.scatter.add.f32 [tilespmem:s13], [sflag:$0x1], $0x80, s19, s17, $0xb8;
	[tilespmem:$0x18C00] =	vst v63  }
0x20: {  	_ =	swait.ge [sflag:s14], $0x4000  }
0x21: {  	s19 =	simm.s32 $0x200;
	[sflag:s14] =	ssyncset.done $0x0  }
.LBB2_2:
0x22: {  	s20 =	sshra.s32 s19, $0x2;
	[sflag:s14] =	ssyncadd.s32 $0xFFFFC000;
	p0 =	sne.s32 s19, $0x3E00  }
0x23: {  	[spmem:s3] =	stream.indirect.scatter.add.f32 [tilespmem:s13], [sflag:$0x1], $0x80, s20, s17, $0xb8;
	[tilespmem:$0x18C00] =	vst v63  }
.Ltmp0:
0x24: {  	_ = 	snop;
	(pc) =	sbr.rel @p0 .LBB2_2-.Ltmp0, $4  }
0x25: {  	_ = 	snop  }
0x26: {  	s19 =	sadd.s32 $0x200, s19  }
0x27: {  	_ =	swait.ge [sflag:s14], $0x4000  }
0x28: {  	[sflag:s14] =	ssyncset.done $0x0  }
0x29: {  	[sflag:s14] =	ssyncadd.s32 $0xFFFFC000;
	s19 =	simm.s32 $0x0  }
0x2a: {  	[tilespmem:s19], [sflag:$0x1] =	stream.linear.gather [hbm4b:s9+s19], $0x1000, $0x38;
	[tilespmem:$0x18C00] =	vst v63  }
0x2b: {  	_ =	swait.ge [sflag:s14], $0x1000  }
0x2c: {  	[sflag:s14] =	ssyncset.done $0x0  }
0x2d: {  	s31 =	simm.s32 $0x0;
	[sflag:s14] =	ssyncadd.s32 $0xFFFFF000  }
0x2e: {  	[spmem:s3] =	stream.indirect.scatter.add.f32 [tilespmem:s13], [sflag:$0x1], $0x80, s31, s17, $0xb8;
	[tilespmem:$0x18C00] =	vst v63  }
0x2f: {  	_ =	swait.ge [sflag:s14], $0x4000  }
0x30: {  	s19 =	simm.s32 $0x200;
	[sflag:s14] =	ssyncset.done $0x0  }
.LBB2_4:
0x31: {  	s20 =	sshra.s32 s19, $0x2;
	[sflag:s14] =	ssyncadd.s32 $0xFFFFC000;
	p0 =	sne.s32 s19, $0x3E00  }
0x32: {  	[spmem:s3] =	stream.indirect.scatter.add.f32 [tilespmem:s13], [sflag:$0x1], $0x80, s20, s17, $0xb8;
	[tilespmem:$0x18C00] =	vst v63  }
.Ltmp1:
0x33: {  	_ = 	snop;
	(pc) =	sbr.rel @p0 .LBB2_4-.Ltmp1, $4  }
0x34: {  	_ = 	snop  }
0x35: {  	s19 =	sadd.s32 $0x200, s19  }
0x36: {  	_ =	swait.ge [sflag:s14], $0x4000  }
0x37: {  	[sflag:s14] =	ssyncset.done $0x0  }
0x38: {  	[sflag:s14] =	ssyncadd.s32 $0xFFFFC000;
	s19 =	simm.s32 $0x0  }
0x39: {  	[tilespmem:s19], [sflag:$0x1] =	stream.linear.gather [hbm4b:s10+s19], $0x1000, $0x38;
	[tilespmem:$0x18C00] =	vst v63  }
0x3a: {  	_ =	swait.ge [sflag:s14], $0x1000  }
0x3b: {  	[sflag:s14] =	ssyncset.done $0x0  }
0x3c: {  	s31 =	simm.s32 $0x0;
	[sflag:s14] =	ssyncadd.s32 $0xFFFFF000  }
0x3d: {  	[spmem:s3] =	stream.indirect.scatter.add.f32 [tilespmem:s13], [sflag:$0x1], $0x80, s31, s17, $0xb8;
	[tilespmem:$0x18C00] =	vst v63  }
0x3e: {  	_ =	swait.ge [sflag:s14], $0x4000  }
0x3f: {  	s19 =	simm.s32 $0x200;
	[sflag:s14] =	ssyncset.done $0x0  }
.LBB2_6:
0x40: {  	s20 =	sshra.s32 s19, $0x2;
	[sflag:s14] =	ssyncadd.s32 $0xFFFFC000;
	p0 =	sne.s32 s19, $0x3E00  }
0x41: {  	[spmem:s3] =	stream.indirect.scatter.add.f32 [tilespmem:s13], [sflag:$0x1], $0x80, s20, s17, $0xb8;
	[tilespmem:$0x18C00] =	vst v63  }
.Ltmp2:
0x42: {  	_ = 	snop;
	(pc) =	sbr.rel @p0 .LBB2_6-.Ltmp2, $4  }
0x43: {  	_ = 	snop  }
0x44: {  	s19 =	sadd.s32 $0x200, s19  }
0x45: {  	_ =	swait.ge [sflag:s14], $0x4000  }
0x46: {  	[sflag:s14] =	ssyncset.done $0x0  }
0x47: {  	[sflag:s14] =	ssyncadd.s32 $0xFFFFC000;
	s19 =	simm.s32 $0x0  }
0x48: {  	[tilespmem:s19], [sflag:$0x1] =	stream.linear.gather [hbm4b:s11+s19], $0x1000, $0x38;
	[tilespmem:$0x18C00] =	vst v63  }
0x49: {  	_ =	swait.ge [sflag:s14], $0x1000  }
0x4a: {  	[sflag:s14] =	ssyncset.done $0x0  }
0x4b: {  	s31 =	simm.s32 $0x0;
	[sflag:s14] =	ssyncadd.s32 $0xFFFFF000  }
0x4c: {  	[spmem:s3] =	stream.indirect.scatter.add.f32 [tilespmem:s13], [sflag:$0x1], $0x80, s31, s17, $0xb8;
	[tilespmem:$0x18C00] =	vst v63  }
0x4d: {  	_ =	swait.ge [sflag:s14], $0x4000  }
0x4e: {  	s19 =	simm.s32 $0x200;
	[sflag:s14] =	ssyncset.done $0x0  }
.LBB2_8:
0x4f: {  	s20 =	sshra.s32 s19, $0x2;
	[sflag:s14] =	ssyncadd.s32 $0xFFFFC000;
	p0 =	sne.s32 s19, $0x3E00  }
0x50: {  	[spmem:s3] =	stream.indirect.scatter.add.f32 [tilespmem:s13], [sflag:$0x1], $0x80, s20, s17, $0xb8;
	[tilespmem:$0x18C00] =	vst v63  }
.Ltmp3:
0x51: {  	_ = 	snop;
	(pc) =	sbr.rel @p0 .LBB2_8-.Ltmp3, $4  }
0x52: {  	_ = 	snop  }
0x53: {  	s19 =	sadd.s32 $0x200, s19  }
0x54: {  	_ =	swait.ge [sflag:s14], $0x4000  }
0x55: {  	[sflag:s14] =	ssyncset.done $0x0  }
0x56: {  	[sflag:s14] =	ssyncadd.s32 $0xFFFFC000;
	s19 =	simm.s32 $0x0  }
0x57: {  	[tilespmem:s19], [sflag:$0x1] =	stream.linear.gather [hbm4b:s12+s19], $0x1000, $0x38;
	[tilespmem:$0x18C00] =	vst v63  }
0x58: {  	_ =	swait.ge [sflag:s14], $0x1000  }
0x59: {  	[sflag:s14] =	ssyncset.done $0x0  }
0x5a: {  	s31 =	simm.s32 $0x0;
	[sflag:s14] =	ssyncadd.s32 $0xFFFFF000  }
0x5b: {  	[spmem:s3] =	stream.indirect.scatter.add.f32 [tilespmem:s13], [sflag:$0x1], $0x80, s31, s17, $0xb8;
	[tilespmem:$0x18C00] =	vst v63  }
0x5c: {  	_ =	swait.ge [sflag:s14], $0x4000  }
0x5d: {  	s19 =	simm.s32 $0x200;
	[sflag:s14] =	ssyncset.done $0x0  }
.LBB2_10:
0x5e: {  	s20 =	sshra.s32 s19, $0x2;
	[sflag:s14] =	ssyncadd.s32 $0xFFFFC000;
	p0 =	sne.s32 s19, $0x3E00  }
0x5f: {  	[spmem:s3] =	stream.indirect.scatter.add.f32 [tilespmem:s13], [sflag:$0x1], $0x80, s20, s17, $0xb8;
	[tilespmem:$0x18C00] =	vst v63  }
.Ltmp4:
0x60: {  	_ = 	snop;
	(pc) =	sbr.rel @p0 .LBB2_10-.Ltmp4, $4  }
0x61: {  	_ = 	snop  }
0x62: {  	s19 =	sadd.s32 $0x200, s19  }
0x63: {  	_ =	swait.ge [sflag:s14], $0x4000  }
0x64: {  	[sflag:s14] =	ssyncset.done $0x0  }
0x65: {  	s18 =	sadd.s32 $0x1, s18  }
0x66: {  	[sflag:s14] =	ssyncadd.s32 $0xFFFFC000;
	p0 =	sne.s32 s18, s8  }
.Ltmp5:
0x67: {  	[bflag:$0x0] =	sbarrier.arrive $0xFFFF;
	(pc) =	sbr.rel @p0 .LBB2_1-.Ltmp5, $4  }
0x68: {  	[hbm:s6], [sflag:s15] =	dma.local [spmem:s16], $0x2780  }
0x69: {  	_ =	swait.ge [sflag:s14], $0x2780  }
0x6a: {  	[sflag:s14] =	ssyncset.done $0x0  }
0x6b: {  	[sflag:s14] =	ssyncadd.s32 $0xFFFFD880  }
0x6c: {  	_ =	sfence.sel $0x180000  }
0x6d: {  	[bflag:$0x0] =	sbarrier.arrive $0xFFFF  }
0x6e: {  	p0 =	sne.s32 s1, $0x0;
	_ =	strace $0x90000047  }
0x6f: {  	s0 =	sadd.s32 @!p0 $0x100000, s0;
	[bflag:$0x2] =	sbarrier.arrive $0xFFFF  }
0x70: {  	[sflag:s0] =	ssyncadd.tile.s32 @!p0 $0x1;
	_ =	shalt  }
.Lfunc_end2:
_tile_overlayer_lowered:
.L_overlay_start_2:
0x71: {  	(tag) =	ssettag $0x2  }
0x72: {  	s0 =	rddreg [dreg:$0x0];
	s2 =	stileid.u32  }
0x73: {  	s1 =	rddreg [dreg:$0x1];
	p0 =	sne.s32 s2, $0x0  }
0x74: {  	s3 =	rddreg [dreg:$0x2];
	[bflag:$0x3] =	sbarrier.arrive $0xFFFF;
	s2 =	simm.s32 @!p0 $0x1C01  }
0x75: {  	[timem:s3], [sflag:s2] =	dma.local @!p0 [hbm:s0], s1  }
0x76: {  	s0 =	simm.s32 @!p0 $0x1  }
0x77: {  	_ =	swait.ge @!p0 [sflag:s0], s1  }
0x78: {  	s1 =	ssub.s32 @!p0 $0x0, s1;
	[sflag:s0] =	ssyncset.done @!p0 $0x0  }
0x79: {  	[sflag:s0] =	ssyncadd.s32 @!p0 s1  }
0x7a: {  	[bflag:$0x3] =	sbarrier.arrive $0xFFFF  }
0x7b: {  	_ =	shalt  }

</sc_bundles>
